<compile_context>
chip_gen: v7x
topology: tpu7x:2x2x1
jax: 0.10.2.dev20260603
libtpu: 0.0.44.dev20260713+nightly
codegen_flags: <defaults>
</compile_context>

<pallas_src>
import dataclasses
import functools

import jax
import jax.numpy as jnp
from jax import lax
from jax.experimental import pallas as pl
from jax.experimental.pallas import tpu as pltpu
from jax.experimental.pallas import tpu_sc as plsc

B = 4096
F = 26
D = 32
L = 16
NC, NS = 2, 16
NW = NC * NS
ITEMS_PER_W = B // NW
CHUNK = 16
NCHUNK = ITEMS_PER_W // CHUNK
CF = CHUNK * F


def kernel(feat_index, feat_value, em1_weight, em2_weight):
    idx_flat = feat_index.reshape(-1)
    val_flat = feat_value.reshape(-1)

    mesh = plsc.VectorSubcoreMesh(core_axis_name="c", subcore_axis_name="s")

    cp = pltpu.CompilerParams()
    if "needs_layout_passes" in pltpu.CompilerParams.__dataclass_fields__:
        cp = dataclasses.replace(cp, needs_layout_passes=False)
    if "use_tc_tiling_on_sc" in pltpu.CompilerParams.__dataclass_fields__:
        cp = dataclasses.replace(cp, use_tc_tiling_on_sc=False)

    @functools.partial(
        pl.kernel,
        compiler_params=cp,
        out_type=(
            jax.ShapeDtypeStruct((B * F,), jnp.float32),
            jax.ShapeDtypeStruct((B * D,), jnp.float32),
        ),
        mesh=mesh,
        scratch_types=[
            pltpu.VMEM((CF,), jnp.int32),
            pltpu.VMEM((CF,), jnp.float32),
            pltpu.VMEM((CF, D), jnp.float32),
            pltpu.VMEM((CF,), jnp.float32),
            pltpu.VMEM((CF,), jnp.float32),
            pltpu.VMEM((CHUNK * D,), jnp.float32),
            pltpu.SemaphoreType.DMA,
            pltpu.SemaphoreType.DMA,
        ],
    )
    def fm_kernel(em1_hbm, em2_hbm, idx_hbm, val_hbm, y1_hbm, y2_hbm,
                  idx_v, val_v, rows_v, g2_v, y1_v, y2_v, sem1, sem2):
        wid = lax.axis_index("s") * NC + lax.axis_index("c")

        @pl.loop(0, NCHUNK)
        def _chunk(c):
            base = wid * (ITEMS_PER_W * F) + c * CF
            pltpu.sync_copy(idx_hbm.at[pl.ds(base, CF)], idx_v)
            pltpu.sync_copy(val_hbm.at[pl.ds(base, CF)], val_v)
            cp1 = pltpu.async_copy(em1_hbm.at[idx_v], rows_v, sem1)
            cp2 = pltpu.async_copy(em2_hbm.at[idx_v], g2_v, sem2)
            cp1.wait()
            cp2.wait()

            @pl.loop(0, CHUNK)
            def _item(i):
                r0 = i * F
                s = [jnp.zeros((L,), jnp.float32) for _ in range(D // L)]
                q = [jnp.zeros((L,), jnp.float32) for _ in range(D // L)]
                for f in range(F):
                    r = r0 + f
                    vb = plsc.load_gather(
                        val_v, [jnp.full((L,), r, dtype=jnp.int32)])
                    for h in range(D // L):
                        e = rows_v[r, pl.ds(h * L, L)]
                        t = e * vb
                        s[h] = s[h] + t
                        q[h] = q[h] + t * t
                for h in range(D // L):
                    y2_v[pl.ds(i * D + h * L, L)] = 0.5 * (s[h] * s[h] - q[h])

            @pl.loop(0, CF, step=L)
            def _fo(j):
                y1_v[pl.ds(j, L)] = g2_v[pl.ds(j, L)] * val_v[pl.ds(j, L)]

            pltpu.sync_copy(y1_v, y1_hbm.at[pl.ds(base, CF)])
            ob = wid * (ITEMS_PER_W * D) + c * CHUNK * D
            pltpu.sync_copy(y2_v, y2_hbm.at[pl.ds(ob, CHUNK * D)])

    y1f, y2f = fm_kernel(em1_weight, em2_weight.reshape(-1), idx_flat, val_flat)
    return y1f.reshape(B, F), y2f.reshape(B, D)

# --- scband reference (transcript-rebuilt; emitter-appended) ---
"""Pipeline reference for scband-fm-57346403336519 (READ-ONLY COPY).

The authoritative reference and input builder live on the scoring server;
editing this copy changes nothing except your own understanding.
"""

import jax, jax.numpy as jnp
import numpy as np

FEATURE_SIZE = 1000000
EMBEDDING_SIZE = 32
FIELD_SIZE = 26
BATCH = 4096

def setup_inputs(seed: int = 0) -> dict:
    key = jax.random.key(seed)
    k1, k2, k3, k4 = jax.random.split(key, 4)
    feat_index = jax.random.randint(k1, (BATCH, FIELD_SIZE), 0, FEATURE_SIZE, dtype=jnp.int64 if jax.config.jax_enable_x64 else jnp.int32).astype(jnp.int32)
    feat_value = jax.random.uniform(k2, (BATCH, FIELD_SIZE), dtype=jnp.float32)
    em1_weight = jax.random.normal(k3, (FEATURE_SIZE, EMBEDDING_SIZE), dtype=jnp.float32) * 0.01
    em2_weight = jax.random.normal(k4, (FEATURE_SIZE, 1), dtype=jnp.float32) * 0.1
    return {"feat_index": feat_index, "feat_value": feat_value, "em1_weight": em1_weight, "em2_weight": em2_weight}

def reference(feat_index, feat_value, em1_weight, em2_weight):
    field_size = feat_index.shape[1]
    # embedding lookups (gather)
    embeddings_origin = jnp.take(em1_weight, feat_index, axis=0)          # [B, F, D]
    feat_value_reshape = jnp.reshape(feat_value, (-1, field_size, 1))     # [B, F, 1]
    y_first_order = jnp.take(em2_weight, feat_index, axis=0)              # [B, F, 1]
    w_mul_x = y_first_order * feat_value_reshape                          # [B, F, 1]
    y_first_order = jnp.sum(w_mul_x, axis=2)                              # [B, F]
    embeddings = embeddings_origin * feat_value_reshape                   # [B, F, D]
    summed_features_emb = jnp.sum(embeddings, axis=1)                     # [B, D]
    summed_features_emb = jnp.power(summed_features_emb, 2)
    squared_features_emb = jnp.power(embeddings, 2)
    squared_features_emb_summed = jnp.sum(squared_features_emb, axis=1)   # [B, D]
    y_second_order = 0.5 * (summed_features_emb - squared_features_emb_summed)
    return (y_first_order, y_second_order)

if __name__ == "__main__":
    import jax
    _d = setup_inputs()
    print(jax.jit(kernel)(*tuple(_d.values())))

</pallas_src>

<mosaic_0001>
#map = affine_map<(d0, d1) -> (0, 0)>
#map1 = affine_map<(d0, d1) -> (0)>
module attributes {stable_mosaic.version = 14 : i64} {
  func.func @fm_kernel(%arg0: i32, %arg1: i32, %arg2: memref<1000000x32xf32, #tpu.memory_space<hbm>>, %arg3: memref<1000000xf32, #tpu.memory_space<hbm>>, %arg4: memref<106496xi32, #tpu.memory_space<hbm>>, %arg5: memref<106496xf32, #tpu.memory_space<hbm>>, %arg6: memref<106496xf32, #tpu.memory_space<hbm>>, %arg7: memref<131072xf32, #tpu.memory_space<hbm>>, %arg8: memref<416xi32, #tpu.memory_space<vmem>>, %arg9: memref<416xf32, #tpu.memory_space<vmem>>, %arg10: memref<416x32xf32, #tpu.memory_space<vmem>>, %arg11: memref<416xf32, #tpu.memory_space<vmem>>, %arg12: memref<416xf32, #tpu.memory_space<vmem>>, %arg13: memref<512xf32, #tpu.memory_space<vmem>>, %arg14: memref<!tpu.dma_semaphore, #tpu.memory_space<semaphore_mem>>, %arg15: memref<!tpu.dma_semaphore, #tpu.memory_space<semaphore_mem>>) attributes {dimension_semantics = [#tpu.dimension_semantics<core_parallel>, #tpu.dimension_semantics<subcore_parallel>], iteration_bounds = array<i64: 2, 16>, scalar_prefetch = 0 : i64, scratch_operands = 8 : i64, tpu.core_type = #tpu.core_type<sc_vector_subcore>, window_params = [{transform_indices = #map}, {transform_indices = #map1}, {transform_indices = #map1}, {transform_indices = #map1}, {transform_indices = #map1}, {transform_indices = #map1}]} {
    %mul3A = arith.constant 2 : i32
    %mul3A_0 = arith.muli %arg1, %mul3A : i32
    %add3A = arith.addi %mul3A_0, %arg0 : i32
    %scan3A = arith.constant 0 : i32
    %scan3A_1 = arith.constant 8 : i32
    %scan3A_2 = arith.addi %scan3A, %scan3A_1 : i32
    %scan3A_3 = arith.constant 1 : i32
    scf.for %scan3A_5 = %scan3A to %scan3A_2 step %scan3A_3  : i32 {
      %mul3A_6 = arith.constant 1 : i32
      %mul3A_7 = arith.muli %scan3A_5, %mul3A_6 : i32
      %add3A_8 = arith.constant 0 : i32
      %add3A_9 = arith.addi %add3A_8, %mul3A_7 : i32
      %mul3A_10 = arith.constant 3328 : i32
      %mul3A_11 = arith.muli %add3A, %mul3A_10 : i32
      %mul3A_12 = arith.constant 416 : i32
      %mul3A_13 = arith.muli %add3A_9, %mul3A_12 : i32
      %add3A_14 = arith.addi %mul3A_11, %mul3A_13 : i32
      "tpu.region"() ({
        %run_scoped3A = tpu.sem_alloc : memref<!tpu.dma_semaphore, #tpu.memory_space<semaphore_mem>>
        %dma_start3A_40 = tpu.memref_slice %arg4[%add3A_14] : memref<106496xi32, #tpu.memory_space<hbm>> -> memref<416xi32, #tpu.memory_space<hbm>>
        %dma_start3A_41 = tpu.memref_slice %arg4[%add3A_14] : memref<106496xi32, #tpu.memory_space<hbm>> -> memref<416xi32, #tpu.memory_space<hbm>>
        tpu.enqueue_dma source(%dma_start3A_41 : memref<416xi32, #tpu.memory_space<hbm>>) target(%arg8 : memref<416xi32, #tpu.memory_space<vmem>>) target_semaphore(%run_scoped3A : memref<!tpu.dma_semaphore, #tpu.memory_space<semaphore_mem>>)
        %dma_wait3A_42 = tpu.memref_slice %arg4[%add3A_14] : memref<106496xi32, #tpu.memory_space<hbm>> -> memref<416xi32, #tpu.memory_space<hbm>>
        %dma_wait3A_43 = tpu.memref_slice %arg4[%add3A_14] : memref<106496xi32, #tpu.memory_space<hbm>> -> memref<416xi32, #tpu.memory_space<hbm>>
        tpu.wait_dma2 semaphore(%run_scoped3A : memref<!tpu.dma_semaphore, #tpu.memory_space<semaphore_mem>>) src(%dma_wait3A_43 : memref<416xi32, #tpu.memory_space<hbm>>) dst(%arg8 : memref<416xi32, #tpu.memory_space<vmem>>)
        tpu.yield
      }) : () -> ()
      "tpu.region"() ({
        %run_scoped3A = tpu.sem_alloc : memref<!tpu.dma_semaphore, #tpu.memory_space<semaphore_mem>>
        %dma_start3A_40 = tpu.memref_slice %arg5[%add3A_14] : memref<106496xf32, #tpu.memory_space<hbm>> -> memref<416xf32, #tpu.memory_space<hbm>>
        %dma_start3A_41 = tpu.memref_slice %arg5[%add3A_14] : memref<106496xf32, #tpu.memory_space<hbm>> -> memref<416xf32, #tpu.memory_space<hbm>>
        tpu.enqueue_dma source(%dma_start3A_41 : memref<416xf32, #tpu.memory_space<hbm>>) target(%arg9 : memref<416xf32, #tpu.memory_space<vmem>>) target_semaphore(%run_scoped3A : memref<!tpu.dma_semaphore, #tpu.memory_space<semaphore_mem>>)
        %dma_wait3A_42 = tpu.memref_slice %arg5[%add3A_14] : memref<106496xf32, #tpu.memory_space<hbm>> -> memref<416xf32, #tpu.memory_space<hbm>>
        %dma_wait3A_43 = tpu.memref_slice %arg5[%add3A_14] : memref<106496xf32, #tpu.memory_space<hbm>> -> memref<416xf32, #tpu.memory_space<hbm>>
        tpu.wait_dma2 semaphore(%run_scoped3A : memref<!tpu.dma_semaphore, #tpu.memory_space<semaphore_mem>>) src(%dma_wait3A_43 : memref<416xf32, #tpu.memory_space<hbm>>) dst(%arg9 : memref<416xf32, #tpu.memory_space<vmem>>)
        tpu.yield
      }) : () -> ()
      %dma_start3A = arith.constant 0 : i32
      %dma_start3A_15 = arith.constant 0 : i32
      %dma_start3A_16 = tpu.memref_slice %arg2[%dma_start3A, %dma_start3A_15] : memref<1000000x32xf32, #tpu.memory_space<hbm>> -> memref<1000000x32xf32, #tpu.memory_space<hbm>>
      tpu.enqueue_indirect_dma source(%dma_start3A_16 : memref<1000000x32xf32, #tpu.memory_space<hbm>>) target(%arg10 : memref<416x32xf32, #tpu.memory_space<vmem>>) offsets(%arg8 : memref<416xi32, #tpu.memory_space<vmem>>) semaphore(%arg14 : memref<!tpu.dma_semaphore, #tpu.memory_space<semaphore_mem>>)
      %dma_start3A_17 = arith.constant 0 : i32
      %dma_start3A_18 = tpu.memref_slice %arg3[%dma_start3A_17] : memref<1000000xf32, #tpu.memory_space<hbm>> -> memref<1000000xf32, #tpu.memory_space<hbm>>
      tpu.enqueue_indirect_dma source(%dma_start3A_18 : memref<1000000xf32, #tpu.memory_space<hbm>>) target(%arg11 : memref<416xf32, #tpu.memory_space<vmem>>) offsets(%arg8 : memref<416xi32, #tpu.memory_space<vmem>>) semaphore(%arg15 : memref<!tpu.dma_semaphore, #tpu.memory_space<semaphore_mem>>)
      %dma_wait3A = arith.constant 0 : i32
      %dma_wait3A_19 = arith.constant 0 : i32
      %dma_wait3A_20 = tpu.memref_slice %arg2[%dma_wait3A, %dma_wait3A_19] : memref<1000000x32xf32, #tpu.memory_space<hbm>> -> memref<1000000x32xf32, #tpu.memory_space<hbm>>
      tpu.wait_indirect_dma semaphore(%arg14 : memref<!tpu.dma_semaphore, #tpu.memory_space<semaphore_mem>>) src(%dma_wait3A_20 : memref<1000000x32xf32, #tpu.memory_space<hbm>>) dst(%arg10 : memref<416x32xf32, #tpu.memory_space<vmem>>)
      %dma_wait3A_21 = arith.constant 0 : i32
      %dma_wait3A_22 = tpu.memref_slice %arg3[%dma_wait3A_21] : memref<1000000xf32, #tpu.memory_space<hbm>> -> memref<1000000xf32, #tpu.memory_space<hbm>>
      tpu.wait_indirect_dma semaphore(%arg15 : memref<!tpu.dma_semaphore, #tpu.memory_space<semaphore_mem>>) src(%dma_wait3A_22 : memref<1000000xf32, #tpu.memory_space<hbm>>) dst(%arg11 : memref<416xf32, #tpu.memory_space<vmem>>)
      %scan3A_23 = arith.constant 0 : i32
      %scan3A_24 = arith.constant 16 : i32
      %scan3A_25 = arith.addi %scan3A_23, %scan3A_24 : i32
      %scan3A_26 = arith.constant 1 : i32
      scf.for %scan3A_40 = %scan3A_23 to %scan3A_25 step %scan3A_26  : i32 {
        %mul3A_41 = arith.constant 1 : i32
        %mul3A_42 = arith.muli %scan3A_40, %mul3A_41 : i32
        %add3A_43 = arith.constant 0 : i32
        %add3A_44 = arith.addi %add3A_43, %mul3A_42 : i32
        %mul3A_45 = arith.constant 26 : i32
        %mul3A_46 = arith.muli %add3A_44, %mul3A_45 : i32
        %broadcast_in_dim3A = arith.constant 0.000000e+00 : f32
        %broadcast_in_dim3A_47 = vector.broadcast %broadcast_in_dim3A : f32 to vector<16xf32>
        %broadcast_in_dim3A_48 = arith.constant 0.000000e+00 : f32
        %broadcast_in_dim3A_49 = vector.broadcast %broadcast_in_dim3A_48 : f32 to vector<16xf32>
        %broadcast_in_dim3A_50 = arith.constant 0.000000e+00 : f32
        %broadcast_in_dim3A_51 = vector.broadcast %broadcast_in_dim3A_50 : f32 to vector<16xf32>
        %broadcast_in_dim3A_52 = arith.constant 0.000000e+00 : f32
        %broadcast_in_dim3A_53 = vector.broadcast %broadcast_in_dim3A_52 : f32 to vector<16xf32>
        %add3A_54 = arith.constant 0 : i32
        %add3A_55 = arith.addi %mul3A_46, %add3A_54 : i32
        %broadcast_in_dim3A_56 = vector.broadcast %add3A_55 : i32 to vector<16xi32>
        %gather3A = tpu.vector_load_idx %arg9[%broadcast_in_dim3A_56] : memref<416xf32, #tpu.memory_space<vmem>>[vector<16xi32>], vector<16xf32>,
        %get3A = arith.index_cast %add3A_55 : i32 to index
        %get3A_57 = arith.constant 0 : index
        %get3A_58 = tpu.vector_load %arg10[%get3A, %get3A_57] {strides = array<i32>} : memref<416x32xf32, #tpu.memory_space<vmem>>, vector<16xf32>,
        %mul3A_59 = arith.mulf %get3A_58, %gather3A : vector<16xf32>
        %add3A_60 = arith.addf %broadcast_in_dim3A_47, %mul3A_59 : vector<16xf32>
        %mul3A_61 = arith.mulf %mul3A_59, %mul3A_59 : vector<16xf32>
        %add3A_62 = arith.addf %broadcast_in_dim3A_51, %mul3A_61 : vector<16xf32>
        %get3A_63 = arith.index_cast %add3A_55 : i32 to index
        %get3A_64 = arith.constant 16 : index
        %get3A_65 = tpu.vector_load %arg10[%get3A_63, %get3A_64] {strides = array<i32>} : memref<416x32xf32, #tpu.memory_space<vmem>>, vector<16xf32>,
        %mul3A_66 = arith.mulf %get3A_65, %gather3A : vector<16xf32>
        %add3A_67 = arith.addf %broadcast_in_dim3A_49, %mul3A_66 : vector<16xf32>
        %mul3A_68 = arith.mulf %mul3A_66, %mul3A_66 : vector<16xf32>
        %add3A_69 = arith.addf %broadcast_in_dim3A_53, %mul3A_68 : vector<16xf32>
        %add3A_70 = arith.constant 1 : i32
        %add3A_71 = arith.addi %mul3A_46, %add3A_70 : i32
        %broadcast_in_dim3A_72 = vector.broadcast %add3A_71 : i32 to vector<16xi32>
        %gather3A_73 = tpu.vector_load_idx %arg9[%broadcast_in_dim3A_72] : memref<416xf32, #tpu.memory_space<vmem>>[vector<16xi32>], vector<16xf32>,
        %get3A_74 = arith.index_cast %add3A_71 : i32 to index
        %get3A_75 = arith.constant 0 : index
        %get3A_76 = tpu.vector_load %arg10[%get3A_74, %get3A_75] {strides = array<i32>} : memref<416x32xf32, #tpu.memory_space<vmem>>, vector<16xf32>,
        %mul3A_77 = arith.mulf %get3A_76, %gather3A_73 : vector<16xf32>
        %add3A_78 = arith.addf %add3A_60, %mul3A_77 : vector<16xf32>
        %mul3A_79 = arith.mulf %mul3A_77, %mul3A_77 : vector<16xf32>
        %add3A_80 = arith.addf %add3A_62, %mul3A_79 : vector<16xf32>
        %get3A_81 = arith.index_cast %add3A_71 : i32 to index
        %get3A_82 = arith.constant 16 : index
        %get3A_83 = tpu.vector_load %arg10[%get3A_81, %get3A_82] {strides = array<i32>} : memref<416x32xf32, #tpu.memory_space<vmem>>, vector<16xf32>,
        %mul3A_84 = arith.mulf %get3A_83, %gather3A_73 : vector<16xf32>
        %add3A_85 = arith.addf %add3A_67, %mul3A_84 : vector<16xf32>
        %mul3A_86 = arith.mulf %mul3A_84, %mul3A_84 : vector<16xf32>
        %add3A_87 = arith.addf %add3A_69, %mul3A_86 : vector<16xf32>
        %add3A_88 = arith.constant 2 : i32
        %add3A_89 = arith.addi %mul3A_46, %add3A_88 : i32
        %broadcast_in_dim3A_90 = vector.broadcast %add3A_89 : i32 to vector<16xi32>
        %gather3A_91 = tpu.vector_load_idx %arg9[%broadcast_in_dim3A_90] : memref<416xf32, #tpu.memory_space<vmem>>[vector<16xi32>], vector<16xf32>,
        %get3A_92 = arith.index_cast %add3A_89 : i32 to index
        %get3A_93 = arith.constant 0 : index
        %get3A_94 = tpu.vector_load %arg10[%get3A_92, %get3A_93] {strides = array<i32>} : memref<416x32xf32, #tpu.memory_space<vmem>>, vector<16xf32>,
        %mul3A_95 = arith.mulf %get3A_94, %gather3A_91 : vector<16xf32>
        %add3A_96 = arith.addf %add3A_78, %mul3A_95 : vector<16xf32>
        %mul3A_97 = arith.mulf %mul3A_95, %mul3A_95 : vector<16xf32>
        %add3A_98 = arith.addf %add3A_80, %mul3A_97 : vector<16xf32>
        %get3A_99 = arith.index_cast %add3A_89 : i32 to index
        %get3A_100 = arith.constant 16 : index
        %get3A_101 = tpu.vector_load %arg10[%get3A_99, %get3A_100] {strides = array<i32>} : memref<416x32xf32, #tpu.memory_space<vmem>>, vector<16xf32>,
        %mul3A_102 = arith.mulf %get3A_101, %gather3A_91 : vector<16xf32>
        %add3A_103 = arith.addf %add3A_85, %mul3A_102 : vector<16xf32>
        %mul3A_104 = arith.mulf %mul3A_102, %mul3A_102 : vector<16xf32>
        %add3A_105 = arith.addf %add3A_87, %mul3A_104 : vector<16xf32>
        %add3A_106 = arith.constant 3 : i32
        %add3A_107 = arith.addi %mul3A_46, %add3A_106 : i32
        %broadcast_in_dim3A_108 = vector.broadcast %add3A_107 : i32 to vector<16xi32>
        %gather3A_109 = tpu.vector_load_idx %arg9[%broadcast_in_dim3A_108] : memref<416xf32, #tpu.memory_space<vmem>>[vector<16xi32>], vector<16xf32>,
        %get3A_110 = arith.index_cast %add3A_107 : i32 to index
        %get3A_111 = arith.constant 0 : index
        %get3A_112 = tpu.vector_load %arg10[%get3A_110, %get3A_111] {strides = array<i32>} : memref<416x32xf32, #tpu.memory_space<vmem>>, vector<16xf32>,
        %mul3A_113 = arith.mulf %get3A_112, %gather3A_109 : vector<16xf32>
        %add3A_114 = arith.addf %add3A_96, %mul3A_113 : vector<16xf32>
        %mul3A_115 = arith.mulf %mul3A_113, %mul3A_113 : vector<16xf32>
        %add3A_116 = arith.addf %add3A_98, %mul3A_115 : vector<16xf32>
        %get3A_117 = arith.index_cast %add3A_107 : i32 to index
        %get3A_118 = arith.constant 16 : index
        %get3A_119 = tpu.vector_load %arg10[%get3A_117, %get3A_118] {strides = array<i32>} : memref<416x32xf32, #tpu.memory_space<vmem>>, vector<16xf32>,
        %mul3A_120 = arith.mulf %get3A_119, %gather3A_109 : vector<16xf32>
        %add3A_121 = arith.addf %add3A_103, %mul3A_120 : vector<16xf32>
        %mul3A_122 = arith.mulf %mul3A_120, %mul3A_120 : vector<16xf32>
        %add3A_123 = arith.addf %add3A_105, %mul3A_122 : vector<16xf32>
        %add3A_124 = arith.constant 4 : i32
        %add3A_125 = arith.addi %mul3A_46, %add3A_124 : i32
        %broadcast_in_dim3A_126 = vector.broadcast %add3A_125 : i32 to vector<16xi32>
        %gather3A_127 = tpu.vector_load_idx %arg9[%broadcast_in_dim3A_126] : memref<416xf32, #tpu.memory_space<vmem>>[vector<16xi32>], vector<16xf32>,
        %get3A_128 = arith.index_cast %add3A_125 : i32 to index
        %get3A_129 = arith.constant 0 : index
        %get3A_130 = tpu.vector_load %arg10[%get3A_128, %get3A_129] {strides = array<i32>} : memref<416x32xf32, #tpu.memory_space<vmem>>, vector<16xf32>,
        %mul3A_131 = arith.mulf %get3A_130, %gather3A_127 : vector<16xf32>
        %add3A_132 = arith.addf %add3A_114, %mul3A_131 : vector<16xf32>
        %mul3A_133 = arith.mulf %mul3A_131, %mul3A_131 : vector<16xf32>
        %add3A_134 = arith.addf %add3A_116, %mul3A_133 : vector<16xf32>
        %get3A_135 = arith.index_cast %add3A_125 : i32 to index
        %get3A_136 = arith.constant 16 : index
        %get3A_137 = tpu.vector_load %arg10[%get3A_135, %get3A_136] {strides = array<i32>} : memref<416x32xf32, #tpu.memory_space<vmem>>, vector<16xf32>,
        %mul3A_138 = arith.mulf %get3A_137, %gather3A_127 : vector<16xf32>
        %add3A_139 = arith.addf %add3A_121, %mul3A_138 : vector<16xf32>
        %mul3A_140 = arith.mulf %mul3A_138, %mul3A_138 : vector<16xf32>
        %add3A_141 = arith.addf %add3A_123, %mul3A_140 : vector<16xf32>
        %add3A_142 = arith.constant 5 : i32
        %add3A_143 = arith.addi %mul3A_46, %add3A_142 : i32
        %broadcast_in_dim3A_144 = vector.broadcast %add3A_143 : i32 to vector<16xi32>
        %gather3A_145 = tpu.vector_load_idx %arg9[%broadcast_in_dim3A_144] : memref<416xf32, #tpu.memory_space<vmem>>[vector<16xi32>], vector<16xf32>,
        %get3A_146 = arith.index_cast %add3A_143 : i32 to index
        %get3A_147 = arith.constant 0 : index
        %get3A_148 = tpu.vector_load %arg10[%get3A_146, %get3A_147] {strides = array<i32>} : memref<416x32xf32, #tpu.memory_space<vmem>>, vector<16xf32>,
        %mul3A_149 = arith.mulf %get3A_148, %gather3A_145 : vector<16xf32>
        %add3A_150 = arith.addf %add3A_132, %mul3A_149 : vector<16xf32>
        %mul3A_151 = arith.mulf %mul3A_149, %mul3A_149 : vector<16xf32>
        %add3A_152 = arith.addf %add3A_134, %mul3A_151 : vector<16xf32>
        %get3A_153 = arith.index_cast %add3A_143 : i32 to index
        %get3A_154 = arith.constant 16 : index
        %get3A_155 = tpu.vector_load %arg10[%get3A_153, %get3A_154] {strides = array<i32>} : memref<416x32xf32, #tpu.memory_space<vmem>>, vector<16xf32>,
        %mul3A_156 = arith.mulf %get3A_155, %gather3A_145 : vector<16xf32>
        %add3A_157 = arith.addf %add3A_139, %mul3A_156 : vector<16xf32>
        %mul3A_158 = arith.mulf %mul3A_156, %mul3A_156 : vector<16xf32>
        %add3A_159 = arith.addf %add3A_141, %mul3A_158 : vector<16xf32>
        %add3A_160 = arith.constant 6 : i32
        %add3A_161 = arith.addi %mul3A_46, %add3A_160 : i32
        %broadcast_in_dim3A_162 = vector.broadcast %add3A_161 : i32 to vector<16xi32>
        %gather3A_163 = tpu.vector_load_idx %arg9[%broadcast_in_dim3A_162] : memref<416xf32, #tpu.memory_space<vmem>>[vector<16xi32>], vector<16xf32>,
        %get3A_164 = arith.index_cast %add3A_161 : i32 to index
        %get3A_165 = arith.constant 0 : index
        %get3A_166 = tpu.vector_load %arg10[%get3A_164, %get3A_165] {strides = array<i32>} : memref<416x32xf32, #tpu.memory_space<vmem>>, vector<16xf32>,
        %mul3A_167 = arith.mulf %get3A_166, %gather3A_163 : vector<16xf32>
        %add3A_168 = arith.addf %add3A_150, %mul3A_167 : vector<16xf32>
        %mul3A_169 = arith.mulf %mul3A_167, %mul3A_167 : vector<16xf32>
        %add3A_170 = arith.addf %add3A_152, %mul3A_169 : vector<16xf32>
        %get3A_171 = arith.index_cast %add3A_161 : i32 to index
        %get3A_172 = arith.constant 16 : index
        %get3A_173 = tpu.vector_load %arg10[%get3A_171, %get3A_172] {strides = array<i32>} : memref<416x32xf32, #tpu.memory_space<vmem>>, vector<16xf32>,
        %mul3A_174 = arith.mulf %get3A_173, %gather3A_163 : vector<16xf32>
        %add3A_175 = arith.addf %add3A_157, %mul3A_174 : vector<16xf32>
        %mul3A_176 = arith.mulf %mul3A_174, %mul3A_174 : vector<16xf32>
        %add3A_177 = arith.addf %add3A_159, %mul3A_176 : vector<16xf32>
        %add3A_178 = arith.constant 7 : i32
        %add3A_179 = arith.addi %mul3A_46, %add3A_178 : i32
        %broadcast_in_dim3A_180 = vector.broadcast %add3A_179 : i32 to vector<16xi32>
        %gather3A_181 = tpu.vector_load_idx %arg9[%broadcast_in_dim3A_180] : memref<416xf32, #tpu.memory_space<vmem>>[vector<16xi32>], vector<16xf32>,
        %get3A_182 = arith.index_cast %add3A_179 : i32 to index
        %get3A_183 = arith.constant 0 : index
        %get3A_184 = tpu.vector_load %arg10[%get3A_182, %get3A_183] {strides = array<i32>} : memref<416x32xf32, #tpu.memory_space<vmem>>, vector<16xf32>,
        %mul3A_185 = arith.mulf %get3A_184, %gather3A_181 : vector<16xf32>
        %add3A_186 = arith.addf %add3A_168, %mul3A_185 : vector<16xf32>
        %mul3A_187 = arith.mulf %mul3A_185, %mul3A_185 : vector<16xf32>
        %add3A_188 = arith.addf %add3A_170, %mul3A_187 : vector<16xf32>
        %get3A_189 = arith.index_cast %add3A_179 : i32 to index
        %get3A_190 = arith.constant 16 : index
        %get3A_191 = tpu.vector_load %arg10[%get3A_189, %get3A_190] {strides = array<i32>} : memref<416x32xf32, #tpu.memory_space<vmem>>, vector<16xf32>,
        %mul3A_192 = arith.mulf %get3A_191, %gather3A_181 : vector<16xf32>
        %add3A_193 = arith.addf %add3A_175, %mul3A_192 : vector<16xf32>
        %mul3A_194 = arith.mulf %mul3A_192, %mul3A_192 : vector<16xf32>
        %add3A_195 = arith.addf %add3A_177, %mul3A_194 : vector<16xf32>
        %add3A_196 = arith.constant 8 : i32
        %add3A_197 = arith.addi %mul3A_46, %add3A_196 : i32
        %broadcast_in_dim3A_198 = vector.broadcast %add3A_197 : i32 to vector<16xi32>
        %gather3A_199 = tpu.vector_load_idx %arg9[%broadcast_in_dim3A_198] : memref<416xf32, #tpu.memory_space<vmem>>[vector<16xi32>], vector<16xf32>,
        %get3A_200 = arith.index_cast %add3A_197 : i32 to index
        %get3A_201 = arith.constant 0 : index
        %get3A_202 = tpu.vector_load %arg10[%get3A_200, %get3A_201] {strides = array<i32>} : memref<416x32xf32, #tpu.memory_space<vmem>>, vector<16xf32>,
        %mul3A_203 = arith.mulf %get3A_202, %gather3A_199 : vector<16xf32>
        %add3A_204 = arith.addf %add3A_186, %mul3A_203 : vector<16xf32>
        %mul3A_205 = arith.mulf %mul3A_203, %mul3A_203 : vector<16xf32>
        %add3A_206 = arith.addf %add3A_188, %mul3A_205 : vector<16xf32>
        %get3A_207 = arith.index_cast %add3A_197 : i32 to index
        %get3A_208 = arith.constant 16 : index
        %get3A_209 = tpu.vector_load %arg10[%get3A_207, %get3A_208] {strides = array<i32>} : memref<416x32xf32, #tpu.memory_space<vmem>>, vector<16xf32>,
        %mul3A_210 = arith.mulf %get3A_209, %gather3A_199 : vector<16xf32>
        %add3A_211 = arith.addf %add3A_193, %mul3A_210 : vector<16xf32>
        %mul3A_212 = arith.mulf %mul3A_210, %mul3A_210 : vector<16xf32>
        %add3A_213 = arith.addf %add3A_195, %mul3A_212 : vector<16xf32>
        %add3A_214 = arith.constant 9 : i32
        %add3A_215 = arith.addi %mul3A_46, %add3A_214 : i32
        %broadcast_in_dim3A_216 = vector.broadcast %add3A_215 : i32 to vector<16xi32>
        %gather3A_217 = tpu.vector_load_idx %arg9[%broadcast_in_dim3A_216] : memref<416xf32, #tpu.memory_space<vmem>>[vector<16xi32>], vector<16xf32>,
        %get3A_218 = arith.index_cast %add3A_215 : i32 to index
        %get3A_219 = arith.constant 0 : index
        %get3A_220 = tpu.vector_load %arg10[%get3A_218, %get3A_219] {strides = array<i32>} : memref<416x32xf32, #tpu.memory_space<vmem>>, vector<16xf32>,
        %mul3A_221 = arith.mulf %get3A_220, %gather3A_217 : vector<16xf32>
        %add3A_222 = arith.addf %add3A_204, %mul3A_221 : vector<16xf32>
        %mul3A_223 = arith.mulf %mul3A_221, %mul3A_221 : vector<16xf32>
        %add3A_224 = arith.addf %add3A_206, %mul3A_223 : vector<16xf32>
        %get3A_225 = arith.index_cast %add3A_215 : i32 to index
        %get3A_226 = arith.constant 16 : index
        %get3A_227 = tpu.vector_load %arg10[%get3A_225, %get3A_226] {strides = array<i32>} : memref<416x32xf32, #tpu.memory_space<vmem>>, vector<16xf32>,
        %mul3A_228 = arith.mulf %get3A_227, %gather3A_217 : vector<16xf32>
        %add3A_229 = arith.addf %add3A_211, %mul3A_228 : vector<16xf32>
        %mul3A_230 = arith.mulf %mul3A_228, %mul3A_228 : vector<16xf32>
        %add3A_231 = arith.addf %add3A_213, %mul3A_230 : vector<16xf32>
        %add3A_232 = arith.constant 10 : i32
        %add3A_233 = arith.addi %mul3A_46, %add3A_232 : i32
        %broadcast_in_dim3A_234 = vector.broadcast %add3A_233 : i32 to vector<16xi32>
        %gather3A_235 = tpu.vector_load_idx %arg9[%broadcast_in_dim3A_234] : memref<416xf32, #tpu.memory_space<vmem>>[vector<16xi32>], vector<16xf32>,
        %get3A_236 = arith.index_cast %add3A_233 : i32 to index
        %get3A_237 = arith.constant 0 : index
        %get3A_238 = tpu.vector_load %arg10[%get3A_236, %get3A_237] {strides = array<i32>} : memref<416x32xf32, #tpu.memory_space<vmem>>, vector<16xf32>,
        %mul3A_239 = arith.mulf %get3A_238, %gather3A_235 : vector<16xf32>
        %add3A_240 = arith.addf %add3A_222, %mul3A_239 : vector<16xf32>
        %mul3A_241 = arith.mulf %mul3A_239, %mul3A_239 : vector<16xf32>
        %add3A_242 = arith.addf %add3A_224, %mul3A_241 : vector<16xf32>
        %get3A_243 = arith.index_cast %add3A_233 : i32 to index
        %get3A_244 = arith.constant 16 : index
        %get3A_245 = tpu.vector_load %arg10[%get3A_243, %get3A_244] {strides = array<i32>} : memref<416x32xf32, #tpu.memory_space<vmem>>, vector<16xf32>,
        %mul3A_246 = arith.mulf %get3A_245, %gather3A_235 : vector<16xf32>
        %add3A_247 = arith.addf %add3A_229, %mul3A_246 : vector<16xf32>
        %mul3A_248 = arith.mulf %mul3A_246, %mul3A_246 : vector<16xf32>
        %add3A_249 = arith.addf %add3A_231, %mul3A_248 : vector<16xf32>
        %add3A_250 = arith.constant 11 : i32
        %add3A_251 = arith.addi %mul3A_46, %add3A_250 : i32
        %broadcast_in_dim3A_252 = vector.broadcast %add3A_251 : i32 to vector<16xi32>
        %gather3A_253 = tpu.vector_load_idx %arg9[%broadcast_in_dim3A_252] : memref<416xf32, #tpu.memory_space<vmem>>[vector<16xi32>], vector<16xf32>,
        %get3A_254 = arith.index_cast %add3A_251 : i32 to index
        %get3A_255 = arith.constant 0 : index
        %get3A_256 = tpu.vector_load %arg10[%get3A_254, %get3A_255] {strides = array<i32>} : memref<416x32xf32, #tpu.memory_space<vmem>>, vector<16xf32>,
        %mul3A_257 = arith.mulf %get3A_256, %gather3A_253 : vector<16xf32>
        %add3A_258 = arith.addf %add3A_240, %mul3A_257 : vector<16xf32>
        %mul3A_259 = arith.mulf %mul3A_257, %mul3A_257 : vector<16xf32>
        %add3A_260 = arith.addf %add3A_242, %mul3A_259 : vector<16xf32>
        %get3A_261 = arith.index_cast %add3A_251 : i32 to index
        %get3A_262 = arith.constant 16 : index
        %get3A_263 = tpu.vector_load %arg10[%get3A_261, %get3A_262] {strides = array<i32>} : memref<416x32xf32, #tpu.memory_space<vmem>>, vector<16xf32>,
        %mul3A_264 = arith.mulf %get3A_263, %gather3A_253 : vector<16xf32>
        %add3A_265 = arith.addf %add3A_247, %mul3A_264 : vector<16xf32>
        %mul3A_266 = arith.mulf %mul3A_264, %mul3A_264 : vector<16xf32>
        %add3A_267 = arith.addf %add3A_249, %mul3A_266 : vector<16xf32>
        %add3A_268 = arith.constant 12 : i32
        %add3A_269 = arith.addi %mul3A_46, %add3A_268 : i32
        %broadcast_in_dim3A_270 = vector.broadcast %add3A_269 : i32 to vector<16xi32>
        %gather3A_271 = tpu.vector_load_idx %arg9[%broadcast_in_dim3A_270] : memref<416xf32, #tpu.memory_space<vmem>>[vector<16xi32>], vector<16xf32>,
        %get3A_272 = arith.index_cast %add3A_269 : i32 to index
        %get3A_273 = arith.constant 0 : index
        %get3A_274 = tpu.vector_load %arg10[%get3A_272, %get3A_273] {strides = array<i32>} : memref<416x32xf32, #tpu.memory_space<vmem>>, vector<16xf32>,
        %mul3A_275 = arith.mulf %get3A_274, %gather3A_271 : vector<16xf32>
        %add3A_276 = arith.addf %add3A_258, %mul3A_275 : vector<16xf32>
        %mul3A_277 = arith.mulf %mul3A_275, %mul3A_275 : vector<16xf32>
        %add3A_278 = arith.addf %add3A_260, %mul3A_277 : vector<16xf32>
        %get3A_279 = arith.index_cast %add3A_269 : i32 to index
        %get3A_280 = arith.constant 16 : index
        %get3A_281 = tpu.vector_load %arg10[%get3A_279, %get3A_280] {strides = array<i32>} : memref<416x32xf32, #tpu.memory_space<vmem>>, vector<16xf32>,
        %mul3A_282 = arith.mulf %get3A_281, %gather3A_271 : vector<16xf32>
        %add3A_283 = arith.addf %add3A_265, %mul3A_282 : vector<16xf32>
        %mul3A_284 = arith.mulf %mul3A_282, %mul3A_282 : vector<16xf32>
        %add3A_285 = arith.addf %add3A_267, %mul3A_284 : vector<16xf32>
        %add3A_286 = arith.constant 13 : i32
        %add3A_287 = arith.addi %mul3A_46, %add3A_286 : i32
        %broadcast_in_dim3A_288 = vector.broadcast %add3A_287 : i32 to vector<16xi32>
        %gather3A_289 = tpu.vector_load_idx %arg9[%broadcast_in_dim3A_288] : memref<416xf32, #tpu.memory_space<vmem>>[vector<16xi32>], vector<16xf32>,
        %get3A_290 = arith.index_cast %add3A_287 : i32 to index
        %get3A_291 = arith.constant 0 : index
        %get3A_292 = tpu.vector_load %arg10[%get3A_290, %get3A_291] {strides = array<i32>} : memref<416x32xf32, #tpu.memory_space<vmem>>, vector<16xf32>,
        %mul3A_293 = arith.mulf %get3A_292, %gather3A_289 : vector<16xf32>
        %add3A_294 = arith.addf %add3A_276, %mul3A_293 : vector<16xf32>
        %mul3A_295 = arith.mulf %mul3A_293, %mul3A_293 : vector<16xf32>
        %add3A_296 = arith.addf %add3A_278, %mul3A_295 : vector<16xf32>
        %get3A_297 = arith.index_cast %add3A_287 : i32 to index
        %get3A_298 = arith.constant 16 : index
        %get3A_299 = tpu.vector_load %arg10[%get3A_297, %get3A_298] {strides = array<i32>} : memref<416x32xf32, #tpu.memory_space<vmem>>, vector<16xf32>,
        %mul3A_300 = arith.mulf %get3A_299, %gather3A_289 : vector<16xf32>
        %add3A_301 = arith.addf %add3A_283, %mul3A_300 : vector<16xf32>
        %mul3A_302 = arith.mulf %mul3A_300, %mul3A_300 : vector<16xf32>
        %add3A_303 = arith.addf %add3A_285, %mul3A_302 : vector<16xf32>
        %add3A_304 = arith.constant 14 : i32
        %add3A_305 = arith.addi %mul3A_46, %add3A_304 : i32
        %broadcast_in_dim3A_306 = vector.broadcast %add3A_305 : i32 to vector<16xi32>
        %gather3A_307 = tpu.vector_load_idx %arg9[%broadcast_in_dim3A_306] : memref<416xf32, #tpu.memory_space<vmem>>[vector<16xi32>], vector<16xf32>,
        %get3A_308 = arith.index_cast %add3A_305 : i32 to index
        %get3A_309 = arith.constant 0 : index
        %get3A_310 = tpu.vector_load %arg10[%get3A_308, %get3A_309] {strides = array<i32>} : memref<416x32xf32, #tpu.memory_space<vmem>>, vector<16xf32>,
        %mul3A_311 = arith.mulf %get3A_310, %gather3A_307 : vector<16xf32>
        %add3A_312 = arith.addf %add3A_294, %mul3A_311 : vector<16xf32>
        %mul3A_313 = arith.mulf %mul3A_311, %mul3A_311 : vector<16xf32>
        %add3A_314 = arith.addf %add3A_296, %mul3A_313 : vector<16xf32>
        %get3A_315 = arith.index_cast %add3A_305 : i32 to index
        %get3A_316 = arith.constant 16 : index
        %get3A_317 = tpu.vector_load %arg10[%get3A_315, %get3A_316] {strides = array<i32>} : memref<416x32xf32, #tpu.memory_space<vmem>>, vector<16xf32>,
        %mul3A_318 = arith.mulf %get3A_317, %gather3A_307 : vector<16xf32>
        %add3A_319 = arith.addf %add3A_301, %mul3A_318 : vector<16xf32>
        %mul3A_320 = arith.mulf %mul3A_318, %mul3A_318 : vector<16xf32>
        %add3A_321 = arith.addf %add3A_303, %mul3A_320 : vector<16xf32>
        %add3A_322 = arith.constant 15 : i32
        %add3A_323 = arith.addi %mul3A_46, %add3A_322 : i32
        %broadcast_in_dim3A_324 = vector.broadcast %add3A_323 : i32 to vector<16xi32>
        %gather3A_325 = tpu.vector_load_idx %arg9[%broadcast_in_dim3A_324] : memref<416xf32, #tpu.memory_space<vmem>>[vector<16xi32>], vector<16xf32>,
        %get3A_326 = arith.index_cast %add3A_323 : i32 to index
        %get3A_327 = arith.constant 0 : index
        %get3A_328 = tpu.vector_load %arg10[%get3A_326, %get3A_327] {strides = array<i32>} : memref<416x32xf32, #tpu.memory_space<vmem>>, vector<16xf32>,
        %mul3A_329 = arith.mulf %get3A_328, %gather3A_325 : vector<16xf32>
        %add3A_330 = arith.addf %add3A_312, %mul3A_329 : vector<16xf32>
        %mul3A_331 = arith.mulf %mul3A_329, %mul3A_329 : vector<16xf32>
        %add3A_332 = arith.addf %add3A_314, %mul3A_331 : vector<16xf32>
        %get3A_333 = arith.index_cast %add3A_323 : i32 to index
        %get3A_334 = arith.constant 16 : index
        %get3A_335 = tpu.vector_load %arg10[%get3A_333, %get3A_334] {strides = array<i32>} : memref<416x32xf32, #tpu.memory_space<vmem>>, vector<16xf32>,
        %mul3A_336 = arith.mulf %get3A_335, %gather3A_325 : vector<16xf32>
        %add3A_337 = arith.addf %add3A_319, %mul3A_336 : vector<16xf32>
        %mul3A_338 = arith.mulf %mul3A_336, %mul3A_336 : vector<16xf32>
        %add3A_339 = arith.addf %add3A_321, %mul3A_338 : vector<16xf32>
        %add3A_340 = arith.constant 16 : i32
        %add3A_341 = arith.addi %mul3A_46, %add3A_340 : i32
        %broadcast_in_dim3A_342 = vector.broadcast %add3A_341 : i32 to vector<16xi32>
        %gather3A_343 = tpu.vector_load_idx %arg9[%broadcast_in_dim3A_342] : memref<416xf32, #tpu.memory_space<vmem>>[vector<16xi32>], vector<16xf32>,
        %get3A_344 = arith.index_cast %add3A_341 : i32 to index
        %get3A_345 = arith.constant 0 : index
        %get3A_346 = tpu.vector_load %arg10[%get3A_344, %get3A_345] {strides = array<i32>} : memref<416x32xf32, #tpu.memory_space<vmem>>, vector<16xf32>,
        %mul3A_347 = arith.mulf %get3A_346, %gather3A_343 : vector<16xf32>
        %add3A_348 = arith.addf %add3A_330, %mul3A_347 : vector<16xf32>
        %mul3A_349 = arith.mulf %mul3A_347, %mul3A_347 : vector<16xf32>
        %add3A_350 = arith.addf %add3A_332, %mul3A_349 : vector<16xf32>
        %get3A_351 = arith.index_cast %add3A_341 : i32 to index
        %get3A_352 = arith.constant 16 : index
        %get3A_353 = tpu.vector_load %arg10[%get3A_351, %get3A_352] {strides = array<i32>} : memref<416x32xf32, #tpu.memory_space<vmem>>, vector<16xf32>,
        %mul3A_354 = arith.mulf %get3A_353, %gather3A_343 : vector<16xf32>
        %add3A_355 = arith.addf %add3A_337, %mul3A_354 : vector<16xf32>
        %mul3A_356 = arith.mulf %mul3A_354, %mul3A_354 : vector<16xf32>
        %add3A_357 = arith.addf %add3A_339, %mul3A_356 : vector<16xf32>
        %add3A_358 = arith.constant 17 : i32
        %add3A_359 = arith.addi %mul3A_46, %add3A_358 : i32
        %broadcast_in_dim3A_360 = vector.broadcast %add3A_359 : i32 to vector<16xi32>
        %gather3A_361 = tpu.vector_load_idx %arg9[%broadcast_in_dim3A_360] : memref<416xf32, #tpu.memory_space<vmem>>[vector<16xi32>], vector<16xf32>,
        %get3A_362 = arith.index_cast %add3A_359 : i32 to index
        %get3A_363 = arith.constant 0 : index
        %get3A_364 = tpu.vector_load %arg10[%get3A_362, %get3A_363] {strides = array<i32>} : memref<416x32xf32, #tpu.memory_space<vmem>>, vector<16xf32>,
        %mul3A_365 = arith.mulf %get3A_364, %gather3A_361 : vector<16xf32>
        %add3A_366 = arith.addf %add3A_348, %mul3A_365 : vector<16xf32>
        %mul3A_367 = arith.mulf %mul3A_365, %mul3A_365 : vector<16xf32>
        %add3A_368 = arith.addf %add3A_350, %mul3A_367 : vector<16xf32>
        %get3A_369 = arith.index_cast %add3A_359 : i32 to index
        %get3A_370 = arith.constant 16 : index
        %get3A_371 = tpu.vector_load %arg10[%get3A_369, %get3A_370] {strides = array<i32>} : memref<416x32xf32, #tpu.memory_space<vmem>>, vector<16xf32>,
        %mul3A_372 = arith.mulf %get3A_371, %gather3A_361 : vector<16xf32>
        %add3A_373 = arith.addf %add3A_355, %mul3A_372 : vector<16xf32>
        %mul3A_374 = arith.mulf %mul3A_372, %mul3A_372 : vector<16xf32>
        %add3A_375 = arith.addf %add3A_357, %mul3A_374 : vector<16xf32>
        %add3A_376 = arith.constant 18 : i32
        %add3A_377 = arith.addi %mul3A_46, %add3A_376 : i32
        %broadcast_in_dim3A_378 = vector.broadcast %add3A_377 : i32 to vector<16xi32>
        %gather3A_379 = tpu.vector_load_idx %arg9[%broadcast_in_dim3A_378] : memref<416xf32, #tpu.memory_space<vmem>>[vector<16xi32>], vector<16xf32>,
        %get3A_380 = arith.index_cast %add3A_377 : i32 to index
        %get3A_381 = arith.constant 0 : index
        %get3A_382 = tpu.vector_load %arg10[%get3A_380, %get3A_381] {strides = array<i32>} : memref<416x32xf32, #tpu.memory_space<vmem>>, vector<16xf32>,
        %mul3A_383 = arith.mulf %get3A_382, %gather3A_379 : vector<16xf32>
        %add3A_384 = arith.addf %add3A_366, %mul3A_383 : vector<16xf32>
        %mul3A_385 = arith.mulf %mul3A_383, %mul3A_383 : vector<16xf32>
        %add3A_386 = arith.addf %add3A_368, %mul3A_385 : vector<16xf32>
        %get3A_387 = arith.index_cast %add3A_377 : i32 to index
        %get3A_388 = arith.constant 16 : index
        %get3A_389 = tpu.vector_load %arg10[%get3A_387, %get3A_388] {strides = array<i32>} : memref<416x32xf32, #tpu.memory_space<vmem>>, vector<16xf32>,
        %mul3A_390 = arith.mulf %get3A_389, %gather3A_379 : vector<16xf32>
        %add3A_391 = arith.addf %add3A_373, %mul3A_390 : vector<16xf32>
        %mul3A_392 = arith.mulf %mul3A_390, %mul3A_390 : vector<16xf32>
        %add3A_393 = arith.addf %add3A_375, %mul3A_392 : vector<16xf32>
        %add3A_394 = arith.constant 19 : i32
        %add3A_395 = arith.addi %mul3A_46, %add3A_394 : i32
        %broadcast_in_dim3A_396 = vector.broadcast %add3A_395 : i32 to vector<16xi32>
        %gather3A_397 = tpu.vector_load_idx %arg9[%broadcast_in_dim3A_396] : memref<416xf32, #tpu.memory_space<vmem>>[vector<16xi32>], vector<16xf32>,
        %get3A_398 = arith.index_cast %add3A_395 : i32 to index
        %get3A_399 = arith.constant 0 : index
        %get3A_400 = tpu.vector_load %arg10[%get3A_398, %get3A_399] {strides = array<i32>} : memref<416x32xf32, #tpu.memory_space<vmem>>, vector<16xf32>,
        %mul3A_401 = arith.mulf %get3A_400, %gather3A_397 : vector<16xf32>
        %add3A_402 = arith.addf %add3A_384, %mul3A_401 : vector<16xf32>
        %mul3A_403 = arith.mulf %mul3A_401, %mul3A_401 : vector<16xf32>
        %add3A_404 = arith.addf %add3A_386, %mul3A_403 : vector<16xf32>
        %get3A_405 = arith.index_cast %add3A_395 : i32 to index
        %get3A_406 = arith.constant 16 : index
        %get3A_407 = tpu.vector_load %arg10[%get3A_405, %get3A_406] {strides = array<i32>} : memref<416x32xf32, #tpu.memory_space<vmem>>, vector<16xf32>,
        %mul3A_408 = arith.mulf %get3A_407, %gather3A_397 : vector<16xf32>
        %add3A_409 = arith.addf %add3A_391, %mul3A_408 : vector<16xf32>
        %mul3A_410 = arith.mulf %mul3A_408, %mul3A_408 : vector<16xf32>
        %add3A_411 = arith.addf %add3A_393, %mul3A_410 : vector<16xf32>
        %add3A_412 = arith.constant 20 : i32
        %add3A_413 = arith.addi %mul3A_46, %add3A_412 : i32
        %broadcast_in_dim3A_414 = vector.broadcast %add3A_413 : i32 to vector<16xi32>
        %gather3A_415 = tpu.vector_load_idx %arg9[%broadcast_in_dim3A_414] : memref<416xf32, #tpu.memory_space<vmem>>[vector<16xi32>], vector<16xf32>,
        %get3A_416 = arith.index_cast %add3A_413 : i32 to index
        %get3A_417 = arith.constant 0 : index
        %get3A_418 = tpu.vector_load %arg10[%get3A_416, %get3A_417] {strides = array<i32>} : memref<416x32xf32, #tpu.memory_space<vmem>>, vector<16xf32>,
        %mul3A_419 = arith.mulf %get3A_418, %gather3A_415 : vector<16xf32>
        %add3A_420 = arith.addf %add3A_402, %mul3A_419 : vector<16xf32>
        %mul3A_421 = arith.mulf %mul3A_419, %mul3A_419 : vector<16xf32>
        %add3A_422 = arith.addf %add3A_404, %mul3A_421 : vector<16xf32>
        %get3A_423 = arith.index_cast %add3A_413 : i32 to index
        %get3A_424 = arith.constant 16 : index
        %get3A_425 = tpu.vector_load %arg10[%get3A_423, %get3A_424] {strides = array<i32>} : memref<416x32xf32, #tpu.memory_space<vmem>>, vector<16xf32>,
        %mul3A_426 = arith.mulf %get3A_425, %gather3A_415 : vector<16xf32>
        %add3A_427 = arith.addf %add3A_409, %mul3A_426 : vector<16xf32>
        %mul3A_428 = arith.mulf %mul3A_426, %mul3A_426 : vector<16xf32>
        %add3A_429 = arith.addf %add3A_411, %mul3A_428 : vector<16xf32>
        %add3A_430 = arith.constant 21 : i32
        %add3A_431 = arith.addi %mul3A_46, %add3A_430 : i32
        %broadcast_in_dim3A_432 = vector.broadcast %add3A_431 : i32 to vector<16xi32>
        %gather3A_433 = tpu.vector_load_idx %arg9[%broadcast_in_dim3A_432] : memref<416xf32, #tpu.memory_space<vmem>>[vector<16xi32>], vector<16xf32>,
        %get3A_434 = arith.index_cast %add3A_431 : i32 to index
        %get3A_435 = arith.constant 0 : index
        %get3A_436 = tpu.vector_load %arg10[%get3A_434, %get3A_435] {strides = array<i32>} : memref<416x32xf32, #tpu.memory_space<vmem>>, vector<16xf32>,
        %mul3A_437 = arith.mulf %get3A_436, %gather3A_433 : vector<16xf32>
        %add3A_438 = arith.addf %add3A_420, %mul3A_437 : vector<16xf32>
        %mul3A_439 = arith.mulf %mul3A_437, %mul3A_437 : vector<16xf32>
        %add3A_440 = arith.addf %add3A_422, %mul3A_439 : vector<16xf32>
        %get3A_441 = arith.index_cast %add3A_431 : i32 to index
        %get3A_442 = arith.constant 16 : index
        %get3A_443 = tpu.vector_load %arg10[%get3A_441, %get3A_442] {strides = array<i32>} : memref<416x32xf32, #tpu.memory_space<vmem>>, vector<16xf32>,
        %mul3A_444 = arith.mulf %get3A_443, %gather3A_433 : vector<16xf32>
        %add3A_445 = arith.addf %add3A_427, %mul3A_444 : vector<16xf32>
        %mul3A_446 = arith.mulf %mul3A_444, %mul3A_444 : vector<16xf32>
        %add3A_447 = arith.addf %add3A_429, %mul3A_446 : vector<16xf32>
        %add3A_448 = arith.constant 22 : i32
        %add3A_449 = arith.addi %mul3A_46, %add3A_448 : i32
        %broadcast_in_dim3A_450 = vector.broadcast %add3A_449 : i32 to vector<16xi32>
        %gather3A_451 = tpu.vector_load_idx %arg9[%broadcast_in_dim3A_450] : memref<416xf32, #tpu.memory_space<vmem>>[vector<16xi32>], vector<16xf32>,
        %get3A_452 = arith.index_cast %add3A_449 : i32 to index
        %get3A_453 = arith.constant 0 : index
        %get3A_454 = tpu.vector_load %arg10[%get3A_452, %get3A_453] {strides = array<i32>} : memref<416x32xf32, #tpu.memory_space<vmem>>, vector<16xf32>,
        %mul3A_455 = arith.mulf %get3A_454, %gather3A_451 : vector<16xf32>
        %add3A_456 = arith.addf %add3A_438, %mul3A_455 : vector<16xf32>
        %mul3A_457 = arith.mulf %mul3A_455, %mul3A_455 : vector<16xf32>
        %add3A_458 = arith.addf %add3A_440, %mul3A_457 : vector<16xf32>
        %get3A_459 = arith.index_cast %add3A_449 : i32 to index
        %get3A_460 = arith.constant 16 : index
        %get3A_461 = tpu.vector_load %arg10[%get3A_459, %get3A_460] {strides = array<i32>} : memref<416x32xf32, #tpu.memory_space<vmem>>, vector<16xf32>,
        %mul3A_462 = arith.mulf %get3A_461, %gather3A_451 : vector<16xf32>
        %add3A_463 = arith.addf %add3A_445, %mul3A_462 : vector<16xf32>
        %mul3A_464 = arith.mulf %mul3A_462, %mul3A_462 : vector<16xf32>
        %add3A_465 = arith.addf %add3A_447, %mul3A_464 : vector<16xf32>
        %add3A_466 = arith.constant 23 : i32
        %add3A_467 = arith.addi %mul3A_46, %add3A_466 : i32
        %broadcast_in_dim3A_468 = vector.broadcast %add3A_467 : i32 to vector<16xi32>
        %gather3A_469 = tpu.vector_load_idx %arg9[%broadcast_in_dim3A_468] : memref<416xf32, #tpu.memory_space<vmem>>[vector<16xi32>], vector<16xf32>,
        %get3A_470 = arith.index_cast %add3A_467 : i32 to index
        %get3A_471 = arith.constant 0 : index
        %get3A_472 = tpu.vector_load %arg10[%get3A_470, %get3A_471] {strides = array<i32>} : memref<416x32xf32, #tpu.memory_space<vmem>>, vector<16xf32>,
        %mul3A_473 = arith.mulf %get3A_472, %gather3A_469 : vector<16xf32>
        %add3A_474 = arith.addf %add3A_456, %mul3A_473 : vector<16xf32>
        %mul3A_475 = arith.mulf %mul3A_473, %mul3A_473 : vector<16xf32>
        %add3A_476 = arith.addf %add3A_458, %mul3A_475 : vector<16xf32>
        %get3A_477 = arith.index_cast %add3A_467 : i32 to index
        %get3A_478 = arith.constant 16 : index
        %get3A_479 = tpu.vector_load %arg10[%get3A_477, %get3A_478] {strides = array<i32>} : memref<416x32xf32, #tpu.memory_space<vmem>>, vector<16xf32>,
        %mul3A_480 = arith.mulf %get3A_479, %gather3A_469 : vector<16xf32>
        %add3A_481 = arith.addf %add3A_463, %mul3A_480 : vector<16xf32>
        %mul3A_482 = arith.mulf %mul3A_480, %mul3A_480 : vector<16xf32>
        %add3A_483 = arith.addf %add3A_465, %mul3A_482 : vector<16xf32>
        %add3A_484 = arith.constant 24 : i32
        %add3A_485 = arith.addi %mul3A_46, %add3A_484 : i32
        %broadcast_in_dim3A_486 = vector.broadcast %add3A_485 : i32 to vector<16xi32>
        %gather3A_487 = tpu.vector_load_idx %arg9[%broadcast_in_dim3A_486] : memref<416xf32, #tpu.memory_space<vmem>>[vector<16xi32>], vector<16xf32>,
        %get3A_488 = arith.index_cast %add3A_485 : i32 to index
        %get3A_489 = arith.constant 0 : index
        %get3A_490 = tpu.vector_load %arg10[%get3A_488, %get3A_489] {strides = array<i32>} : memref<416x32xf32, #tpu.memory_space<vmem>>, vector<16xf32>,
        %mul3A_491 = arith.mulf %get3A_490, %gather3A_487 : vector<16xf32>
        %add3A_492 = arith.addf %add3A_474, %mul3A_491 : vector<16xf32>
        %mul3A_493 = arith.mulf %mul3A_491, %mul3A_491 : vector<16xf32>
        %add3A_494 = arith.addf %add3A_476, %mul3A_493 : vector<16xf32>
        %get3A_495 = arith.index_cast %add3A_485 : i32 to index
        %get3A_496 = arith.constant 16 : index
        %get3A_497 = tpu.vector_load %arg10[%get3A_495, %get3A_496] {strides = array<i32>} : memref<416x32xf32, #tpu.memory_space<vmem>>, vector<16xf32>,
        %mul3A_498 = arith.mulf %get3A_497, %gather3A_487 : vector<16xf32>
        %add3A_499 = arith.addf %add3A_481, %mul3A_498 : vector<16xf32>
        %mul3A_500 = arith.mulf %mul3A_498, %mul3A_498 : vector<16xf32>
        %add3A_501 = arith.addf %add3A_483, %mul3A_500 : vector<16xf32>
        %add3A_502 = arith.constant 25 : i32
        %add3A_503 = arith.addi %mul3A_46, %add3A_502 : i32
        %broadcast_in_dim3A_504 = vector.broadcast %add3A_503 : i32 to vector<16xi32>
        %gather3A_505 = tpu.vector_load_idx %arg9[%broadcast_in_dim3A_504] : memref<416xf32, #tpu.memory_space<vmem>>[vector<16xi32>], vector<16xf32>,
        %get3A_506 = arith.index_cast %add3A_503 : i32 to index
        %get3A_507 = arith.constant 0 : index
        %get3A_508 = tpu.vector_load %arg10[%get3A_506, %get3A_507] {strides = array<i32>} : memref<416x32xf32, #tpu.memory_space<vmem>>, vector<16xf32>,
        %mul3A_509 = arith.mulf %get3A_508, %gather3A_505 : vector<16xf32>
        %add3A_510 = arith.addf %add3A_492, %mul3A_509 : vector<16xf32>
        %mul3A_511 = arith.mulf %mul3A_509, %mul3A_509 : vector<16xf32>
        %add3A_512 = arith.addf %add3A_494, %mul3A_511 : vector<16xf32>
        %get3A_513 = arith.index_cast %add3A_503 : i32 to index
        %get3A_514 = arith.constant 16 : index
        %get3A_515 = tpu.vector_load %arg10[%get3A_513, %get3A_514] {strides = array<i32>} : memref<416x32xf32, #tpu.memory_space<vmem>>, vector<16xf32>,
        %mul3A_516 = arith.mulf %get3A_515, %gather3A_505 : vector<16xf32>
        %add3A_517 = arith.addf %add3A_499, %mul3A_516 : vector<16xf32>
        %mul3A_518 = arith.mulf %mul3A_516, %mul3A_516 : vector<16xf32>
        %add3A_519 = arith.addf %add3A_501, %mul3A_518 : vector<16xf32>
        %mul3A_520 = arith.mulf %add3A_510, %add3A_510 : vector<16xf32>
        %sub3A = arith.subf %mul3A_520, %add3A_512 : vector<16xf32>
        %mul3A_521 = arith.constant 5.000000e-01 : f32
        %mul3A_522 = vector.broadcast %mul3A_521 : f32 to vector<16xf32>
        %mul3A_523 = arith.mulf %mul3A_522, %sub3A : vector<16xf32>
        %mul3A_524 = arith.constant 32 : i32
        %mul3A_525 = arith.muli %add3A_44, %mul3A_524 : i32
        %add3A_526 = arith.constant 0 : i32
        %add3A_527 = arith.addi %mul3A_525, %add3A_526 : i32
        %swap3A = arith.index_cast %add3A_527 : i32 to index
        %swap3A_528 = tpu.vector_load %arg13[%swap3A] {strides = array<i32>} : memref<512xf32, #tpu.memory_space<vmem>>, vector<16xf32>,
        tpu.vector_store %arg13[%swap3A], %mul3A_523 {strides = array<i32>} : memref<512xf32, #tpu.memory_space<vmem>>, vector<16xf32>,
        %mul3A_529 = arith.mulf %add3A_517, %add3A_517 : vector<16xf32>
        %sub3A_530 = arith.subf %mul3A_529, %add3A_519 : vector<16xf32>
        %mul3A_531 = arith.constant 5.000000e-01 : f32
        %mul3A_532 = vector.broadcast %mul3A_531 : f32 to vector<16xf32>
        %mul3A_533 = arith.mulf %mul3A_532, %sub3A_530 : vector<16xf32>
        %mul3A_534 = arith.constant 32 : i32
        %mul3A_535 = arith.muli %add3A_44, %mul3A_534 : i32
        %add3A_536 = arith.constant 16 : i32
        %add3A_537 = arith.addi %mul3A_535, %add3A_536 : i32
        %swap3A_538 = arith.index_cast %add3A_537 : i32 to index
        %swap3A_539 = tpu.vector_load %arg13[%swap3A_538] {strides = array<i32>} : memref<512xf32, #tpu.memory_space<vmem>>, vector<16xf32>,
        tpu.vector_store %arg13[%swap3A_538], %mul3A_533 {strides = array<i32>} : memref<512xf32, #tpu.memory_space<vmem>>, vector<16xf32>,
      }
      %scan3A_27 = arith.constant 16 : i32
      %scan3A_28 = arith.constant 0 : i32
      %scan3A_29 = arith.constant 26 : i32
      %scan3A_30 = arith.addi %scan3A_28, %scan3A_29 : i32
      %scan3A_31 = arith.constant 1 : i32
      scf.for %scan3A_40 = %scan3A_28 to %scan3A_30 step %scan3A_31  : i32 {
        %mul3A_41 = arith.constant 16 : i32
        %mul3A_42 = arith.muli %scan3A_40, %mul3A_41 : i32
        %add3A_43 = arith.constant 0 : i32
        %add3A_44 = arith.addi %add3A_43, %mul3A_42 : i32
        %get3A = arith.index_cast %add3A_44 : i32 to index
        %get3A_45 = tpu.vector_load %arg11[%get3A] {strides = array<i32>} : memref<416xf32, #tpu.memory_space<vmem>>, vector<16xf32>,
        %get3A_46 = arith.index_cast %add3A_44 : i32 to index
        %get3A_47 = tpu.vector_load %arg9[%get3A_46] {strides = array<i32>} : memref<416xf32, #tpu.memory_space<vmem>>, vector<16xf32>,
        %mul3A_48 = arith.mulf %get3A_45, %get3A_47 : vector<16xf32>
        %swap3A = arith.index_cast %add3A_44 : i32 to index
        %swap3A_49 = tpu.vector_load %arg12[%swap3A] {strides = array<i32>} : memref<416xf32, #tpu.memory_space<vmem>>, vector<16xf32>,
        tpu.vector_store %arg12[%swap3A], %mul3A_48 {strides = array<i32>} : memref<416xf32, #tpu.memory_space<vmem>>, vector<16xf32>,
      }
      %scan3A_32 = arith.constant 26 : i32
      "tpu.region"() ({
        %run_scoped3A = tpu.sem_alloc : memref<!tpu.dma_semaphore, #tpu.memory_space<semaphore_mem>>
        %dma_start3A_40 = tpu.memref_slice %arg6[%add3A_14] : memref<106496xf32, #tpu.memory_space<hbm>> -> memref<416xf32, #tpu.memory_space<hbm>>
        %dma_start3A_41 = tpu.memref_slice %arg6[%add3A_14] : memref<106496xf32, #tpu.memory_space<hbm>> -> memref<416xf32, #tpu.memory_space<hbm>>
        tpu.enqueue_dma source(%arg12 : memref<416xf32, #tpu.memory_space<vmem>>) target(%dma_start3A_41 : memref<416xf32, #tpu.memory_space<hbm>>) target_semaphore(%run_scoped3A : memref<!tpu.dma_semaphore, #tpu.memory_space<semaphore_mem>>)
        %dma_wait3A_42 = tpu.memref_slice %arg6[%add3A_14] : memref<106496xf32, #tpu.memory_space<hbm>> -> memref<416xf32, #tpu.memory_space<hbm>>
        %dma_wait3A_43 = tpu.memref_slice %arg6[%add3A_14] : memref<106496xf32, #tpu.memory_space<hbm>> -> memref<416xf32, #tpu.memory_space<hbm>>
        tpu.wait_dma2 semaphore(%run_scoped3A : memref<!tpu.dma_semaphore, #tpu.memory_space<semaphore_mem>>) src(%arg12 : memref<416xf32, #tpu.memory_space<vmem>>) dst(%dma_wait3A_43 : memref<416xf32, #tpu.memory_space<hbm>>)
        tpu.yield
      }) : () -> ()
      %mul3A_33 = arith.constant 4096 : i32
      %mul3A_34 = arith.muli %add3A, %mul3A_33 : i32
      %mul3A_35 = arith.constant 16 : i32
      %mul3A_36 = arith.muli %add3A_9, %mul3A_35 : i32
      %mul3A_37 = arith.constant 32 : i32
      %mul3A_38 = arith.muli %mul3A_36, %mul3A_37 : i32
      %add3A_39 = arith.addi %mul3A_34, %mul3A_38 : i32
      "tpu.region"() ({
        %run_scoped3A = tpu.sem_alloc : memref<!tpu.dma_semaphore, #tpu.memory_space<semaphore_mem>>
        %dma_start3A_40 = tpu.memref_slice %arg7[%add3A_39] : memref<131072xf32, #tpu.memory_space<hbm>> -> memref<512xf32, #tpu.memory_space<hbm>>
        %dma_start3A_41 = tpu.memref_slice %arg7[%add3A_39] : memref<131072xf32, #tpu.memory_space<hbm>> -> memref<512xf32, #tpu.memory_space<hbm>>
        tpu.enqueue_dma source(%arg13 : memref<512xf32, #tpu.memory_space<vmem>>) target(%dma_start3A_41 : memref<512xf32, #tpu.memory_space<hbm>>) target_semaphore(%run_scoped3A : memref<!tpu.dma_semaphore, #tpu.memory_space<semaphore_mem>>)
        %dma_wait3A_42 = tpu.memref_slice %arg7[%add3A_39] : memref<131072xf32, #tpu.memory_space<hbm>> -> memref<512xf32, #tpu.memory_space<hbm>>
        %dma_wait3A_43 = tpu.memref_slice %arg7[%add3A_39] : memref<131072xf32, #tpu.memory_space<hbm>> -> memref<512xf32, #tpu.memory_space<hbm>>
        tpu.wait_dma2 semaphore(%run_scoped3A : memref<!tpu.dma_semaphore, #tpu.memory_space<semaphore_mem>>) src(%arg13 : memref<512xf32, #tpu.memory_space<vmem>>) dst(%dma_wait3A_43 : memref<512xf32, #tpu.memory_space<hbm>>)
        tpu.yield
      }) : () -> ()
    }
    %scan3A_4 = arith.constant 8 : i32
    return
  }
}

</mosaic_0001>

<sc_bundles>
// kernel: kernel.3.cloned.1.call-start
scs
__scs_entry_jumppad:
0x0: {  	(pc) =	sbr.rel $0x88, $3  }
0x1: {  	(tag) =	ssettag $0x0;
	lr =	simm.s32 $0x1  }
0x2: {  	[smem:$0x3F9D] =	sst lr;
	_ =	strace $0xD0000000  }
0x3: {  	_ = 	snop  }
0x4: {  	_ = 	snop  }
0x5: {  	_ = 	snop  }
0x6: {  	_ = 	snop  }
0x7: {  	_ = 	snop  }
__scs_overlays_trampoline_lowered:
0x8: {  	[smem:$0x3FAC] =	sst s0  }
0x9: {  	[smem:$0x3FAD] =	sst s1  }
0xa: {  	[smem:$0x3FAE] =	sst s2  }
0xb: {  	[smem:$0x3FAF] =	sst s3  }
0xc: {  	[smem:$0x3FB0] =	sst s4  }
0xd: {  	[smem:$0x3FB1] =	sst s5  }
0xe: {  	[smem:$0x3FB2] =	sst s6  }
0xf: {  	[smem:$0x3FB3] =	sst s7  }
0x10: {  	[smem:$0x3FB4] =	sst s8  }
0x11: {  	[smem:$0x3FB5] =	sst s9;
	s0 =	simm.s32 @!p0 $0x0  }
0x12: {  	s1 =	sld [smem:$0x3F9B];
	s0 =	simm.s32 @p0 $0x1  }
0x13: {  	[smem:$0x3FB6] =	sst s0;
	s0 =	simm.s32 @!p1 $0x0  }
0x14: {  	s2 =	sld [smem:$0x3F9A];
	s0 =	simm.s32 @p1 $0x1  }
0x15: {  	[smem:$0x3FB7] =	sst s0;
	s0 =	simm.s32 @!p2 $0x0  }
0x16: {  	s3 =	sld [smem:$0x3FDB];
	s0 =	simm.s32 @p2 $0x1  }
0x17: {  	s4 =	simm.s32 $0x1BF5;
	[smem:$0x3FB9] =	sst s0  }
0x18: {  	s0 =	sld [smem:$0x3F9C];
	_ =	swait.ge [sflag:s4], $0x0  }
0x19: {  	s7 =	sld [smem:$0x3F9D]  }
0x1a: {  	s8 =	sadd.s32 $0xFFFFE003, lr  }
0x1b: {  	s9 =	sadd.s32 $0xFFFFFEF7, lr;
	s5 =	simm.s32 $0xFFFFFFFF;
	p2 =	slt.u32 s8, $0xFFFFF086  }
0x1c: {  	p1 =	slt.u32 s9, $0xF7A;
	s5 =	simm.s32 @!p2 $0x0  }
0x1d: {  	s5 =	simm.s32 @p1 $0x1;
	p0 =	seq.s32 s7, s2  }
0x1e: {  	s7 =	smul.u32 @!p0 $0xF7A, s2;
	p2 =	seq.s32 @!p0 s5, $0x0  }
0x1f: {  	s9 =	smul.u32 $0xF7A, s1;
	s8 =	simm.s32 @!p0 $0x1BF5;
	p2 =	por !p2, p0  }
0x20: {  	[sflag:s8] =	ssyncset.s32 @!p0 $0xFFFFF086;
	s6 =	sadd.s32 @!p0 s3, s7;
	s7 =	simm.s32 @!p0 $0x108  }
0x21: {  	s3 =	sadd.s32 s3, s9;
	s6 =	sadd.s32 @!p0 $0x88, s6;
	s7 =	simm.s32 @p2 $0x1082  }
0x22: {  	[simem:s7], [sflag:s8] =	dma.local @!p0 [hbm:s6], $0xF7A  }
0x23: {  	s9 =	sor.u32 $0xD0000000, s2;
	s6 =	simm.s32 $0x108;
	_ =	swait.ge @!p0 [sflag:s8], $0x0  }
0x24: {  	s3 =	sadd.s32 $0x88, s3;
	s6 =	simm.s32 @!p1 $0x1082;
	[sflag:s4] =	ssyncset.s32 $0xFFFFF086  }
0x25: {  	[simem:s6], [sflag:s4] =	dma.local [hbm:s3], $0xF7A  }
0x26: {  	[smem:$0x3F9D] =	sst s1;
	(tag) =	ssettag s2;
	_ =	strace s9  }
0x27: {  	s1 =	sld [smem:$0x3FAD]  }
0x28: {  	s2 =	sld [smem:$0x3FAE]  }
0x29: {  	s4 =	sld [smem:$0x3FB0]  }
0x2a: {  	p0 =	seq.s32 s5, $0x0;
	s5 =	sld [smem:$0x3FB1]  }
0x2b: {  	s6 =	sld [smem:$0x3FB2]  }
0x2c: {  	s7 =	sld [smem:$0x3FB3]  }
0x2d: {  	s3 =	simm.s32 $0x108;
	s8 =	sld [smem:$0x3FB4]  }
0x2e: {  	s3 =	simm.s32 @!p0 $0x1082;
	s9 =	sld [smem:$0x3FB5]  }
0x2f: {  	lr =	sadd.s32 s0, s3;
	s0 =	sld [smem:$0x3FAC]  }
0x30: {  	s3 =	sld [smem:$0x3FAF]  }
0x31: {  	[smem:$0x3FB8] =	sst s10  }
0x32: {  	s10 =	sld [smem:$0x3FB6];
	_ =	sdelay $0x3  }
0x33: {  	p0 =	seq.s32 s10, $0x1;
	s10 =	sld [smem:$0x3FB8];
	_ =	sdelay $0x3  }
0x34: {  	[smem:$0x3FB8] =	sst s10  }
0x35: {  	s10 =	sld [smem:$0x3FB7];
	_ =	sdelay $0x3  }
0x36: {  	p1 =	seq.s32 s10, $0x1;
	s10 =	sld [smem:$0x3FB8];
	_ =	sdelay $0x3  }
0x37: {  	[smem:$0x3FB8] =	sst s10  }
0x38: {  	s10 =	sld [smem:$0x3FB9]  }
0x39: {  	_ = 	snop;
	(pc) =	sbr.ind lr, $3  }
0x3a: {  	_ = 	snop  }
0x3b: {  	_ = 	snop  }
0x3c: {  	p2 =	seq.s32 s10, $0x1;
	s10 =	sld [smem:$0x3FB8]  }
0x3d: {  	_ =	shalt  }
0x3e: {  	_ =	shalt  }
0x3f: {  	_ =	shalt  }
0x40: {  	_ =	shalt  }
0x41: {  	_ =	shalt  }
0x42: {  	_ =	shalt  }
0x43: {  	_ =	shalt  }
0x44: {  	_ =	shalt  }
0x45: {  	_ =	shalt  }
0x46: {  	_ =	shalt  }
0x47: {  	_ =	shalt  }
0x48: {  	_ =	shalt  }
0x49: {  	_ =	shalt  }
0x4a: {  	_ =	shalt  }
0x4b: {  	_ =	shalt  }
0x4c: {  	_ =	shalt  }
0x4d: {  	_ =	shalt  }
0x4e: {  	_ =	shalt  }
0x4f: {  	_ =	shalt  }
0x50: {  	_ =	shalt  }
0x51: {  	_ =	shalt  }
0x52: {  	_ =	shalt  }
0x53: {  	_ =	shalt  }
0x54: {  	_ =	shalt  }
0x55: {  	_ =	shalt  }
0x56: {  	_ =	shalt  }
0x57: {  	_ =	shalt  }
0x58: {  	_ =	shalt  }
0x59: {  	_ =	shalt  }
0x5a: {  	_ =	shalt  }
0x5b: {  	_ =	shalt  }
0x5c: {  	_ =	shalt  }
0x5d: {  	_ =	shalt  }
0x5e: {  	_ =	shalt  }
0x5f: {  	_ =	shalt  }
0x60: {  	_ =	shalt  }
0x61: {  	_ =	shalt  }
0x62: {  	_ =	shalt  }
0x63: {  	_ =	shalt  }
0x64: {  	_ =	shalt  }
0x65: {  	_ =	shalt  }
0x66: {  	_ =	shalt  }
0x67: {  	_ =	shalt  }
0x68: {  	_ =	shalt  }
0x69: {  	_ =	shalt  }
0x6a: {  	_ =	shalt  }
0x6b: {  	_ =	shalt  }
0x6c: {  	_ =	shalt  }
0x6d: {  	_ =	shalt  }
0x6e: {  	_ =	shalt  }
0x6f: {  	_ =	shalt  }
0x70: {  	_ =	shalt  }
0x71: {  	_ =	shalt  }
0x72: {  	_ =	shalt  }
0x73: {  	_ =	shalt  }
0x74: {  	_ =	shalt  }
0x75: {  	_ =	shalt  }
0x76: {  	_ =	shalt  }
0x77: {  	_ =	shalt  }
0x78: {  	_ =	shalt  }
0x79: {  	_ =	shalt  }
0x7a: {  	_ =	shalt  }
0x7b: {  	_ =	shalt  }
0x7c: {  	_ =	shalt  }
0x7d: {  	_ =	shalt  }
0x7e: {  	_ =	shalt  }
0x7f: {  	_ =	shalt  }
0x80: {  	_ =	shalt  }
0x81: {  	_ =	shalt  }
0x82: {  	_ =	shalt  }
0x83: {  	_ =	shalt  }
0x84: {  	_ =	shalt  }
0x85: {  	_ =	shalt  }
0x86: {  	_ =	shalt  }
0x87: {  	_ =	shalt  }
.Lfunc_end0:
.L_simem_size_0:
called_computation_lowered:
.L_overlay_start_0:
0x88: {  	s2 =	sld [smem:$0x3FD9]  }
0x89: {  	s3 =	sld [smem:$0x3FFE];
	_ =	sdelay $0x1  }
0x8a: {  	s1 =	srdreg.scid  }
0x8b: {  	s0 =	sand.u32 $0x1, s1  }
0x8c: {  	s14 =	sshll.u32 s0, $0xA;
	s2 =	sadd.s32 s3, s2  }
0x8d: {  	s2 =	sadd.s32 s2, s14  }
0x8e: {  	[smem:$0x3FC4] =	sst s2  }
0x8f: {  	_ = 	snop  }
0x90: {  	s2 =	sld [smem:$0x3FD0];
	_ =	sdelay $0x2  }
0x91: {  	s15 =	simm.s32 $0xA;
	s4 =	simm.s32 $0x10  }
0x92: {  	[smem:s4], [sflag:s15] =	dma.local [hbm:s2], $0x1  }
0x93: {  	_ =	swait.eq [sflag:s15], $0x1  }
0x94: {  	[sflag:s15] =	ssyncset.done $0x0  }
0x95: {  	s16 =	sld [smem:$0x10];
	[sflag:s15] =	ssyncadd.s32 $0xFFFFFFFF  }
0x96: {  	s17 =	sld [smem:$0x11];
	(tm) =	ssettm $0x1  }
0x97: {  	s18 =	sld [smem:$0x3FFB];
	_ =	sdelay $0x3  }
0x98: {  	_ =	strace s18  }
0x99: {  	s4 =	sld [smem:$0x3FFC];
	_ =	sdelay $0x3  }
0x9a: {  	_ =	strace s4  }
0x9b: {  	s4 =	sld [smem:$0x3FFD];
	_ =	sdelay $0x3  }
0x9c: {  	_ =	strace s4  }
0x9d: {  	_ =	strace $0x8FFFFFFF  }
0x9e: {  	s19 =	sld [smem:$0x3FDB];
	_ =	sdelay $0x1  }
0x9f: {  	s5 =	simm.s32 $_scs_section_size  }
0xa0: {  	s6 =	simm.s32 $_size__tile_overlayer_lowered;
	s7 =	simm.s32 $_tile_overlayer_lowered  }
0xa1: {  	s22 =	simm.s32 $0x1BFF;
	s21 =	sshll.u32 s7, $0x1;
	s4 =	sadd.s32 s5, s19  }
0xa2: {  	s8 =	simm.s32 $0x0;
	s20 =	sshll.u32 s6, $0x1;
	s6 =	sadd.s32 s21, s4  }
0xa3: {  	[timem:s8], [sflag:s22] =	dma.local [hbm:s6], s20  }
0xa4: {  	_ =	swait.ge [sflag:s22], s20  }
0xa5: {  	s5 =	ssub.s32 $0x0, s20;
	[sflag:s22] =	ssyncset.done $0x0  }
0xa6: {  	[sflag:s22] =	ssyncadd.s32 s5;
	_ =	sdelay $0x1  }
0xa7: {  	s23 =	simm.s32 $0x1B8B  }
0xa8: {  	_ =	swait.ge [sflag:s23], $0x1  }
0xa9: {  	[sflag:s23] =	ssyncset.done $0x0  }
0xaa: {  	s25 =	simm.s32 $0x1B8E;
	s24 =	sld [smem:$0x3FFE];
	[sflag:s23] =	ssyncadd.s32 $0xFFFFFFFF  }
0xab: {  	s26 =	simm.s32 $execute0_lowered;
	[smem:$0x3FD2] =	sst s25  }
0xac: {  	s6 =	sshll.u32 s26, $0x1;
	_ =	strace $0x80000046;
	[dreg:$0x1] =	wrdreg $0xFFFFFFFF  }
0xad: {  	s28 =	simm.s32 $_size_execute0_lowered;
	s4 =	sadd.s32 s4, s6;
	[dreg:$0x0] =	wrdreg $0x0  }
0xae: {  	s6 =	sshll.u32 s28, $0x1;
	[dreg:$0x2] =	wrdreg s4  }
0xaf: {  	[dreg:$0x3] =	wrdreg s6  }
0xb0: {  	[dreg:$0x4] =	wrdreg $0xC0  }
0xb1: {  	_ =	task [dreg:s8], $0x5FFFF  }
0xb2: {  	[dreg:$0x1] =	wrdreg $0xFFFFFFFF  }
0xb3: {  	[dreg:$0x0] =	wrdreg $0x60  }
0xb4: {  	[dreg:$0x2] =	wrdreg s24  }
0xb5: {  	[dreg:$0x3] =	wrdreg s16  }
0xb6: {  	[dreg:$0x4] =	wrdreg s17  }
0xb7: {  	[dreg:$0x5] =	wrdreg $0x9  }
0xb8: {  	_ =	task.clear_ibuf [dreg:s8], $0x6FFFF;
	_ =	strace $0x90000046  }
0xb9: {  	s29 =	simm.s32 $0x9;
	_ =	strace $0x80000048  }
0xba: {  	_ =	swait.ge [sflag:s29], $0x1  }
0xbb: {  	[sflag:s29] =	ssyncadd.s32 $0xFFFFFFFF  }
0xbc: {  	_ =	strace $0x90000048  }
0xbd: {  	_ =	sfence  }
0xbe: {  	s30 =	sld [smem:$0x0];
	_ =	sdelay $0x2  }
0xbf: {  	s31 =	sshll.u32 s1, $0xD;
	s1 =	sshrl.u32 s1, $0x2  }
0xc0: {  	s3 =	sand.u32 $0x4000, s31;
	s1 =	sadd.s32 s1, s30  }
0xc1: {  	s0 =	sor.u32 s3, s0;
	s1 =	sshll.u32 s1, $0x11  }
0xc2: {  	s0 =	sor.u32 s1, s0  }
0xc3: {  	s0 =	sadd.s32 $0x8F2B, s0  }
0xc4: {  	[sflag:s0] =	ssyncadd.remote.s32 $0x1  }
0xc5: {  	_ =	sfence.sel $0xFFFF  }
0xc6: {  	[dreg:$0x0] =	wrdreg $0xFFFFFFFF;
	(pc) =	sbr.abs _section_cstart, $3  }
0xc7: {  	[dreg:$0x1] =	wrdreg $0xFFFFFFFF  }
0xc8: {  	_ =	task.clear_ibuf [dreg:s8], $0x2FFFF;
	_ =	strace $0x9FFFFFFF  }
0xc9: {  	(tm) =	ssettm $0x7FFFFFFF  }
tec
execute0_lowered:
.L_overlay_start_1:
0x0: {  	(tag) =	ssettag $0x1  }
0x1: {  	s7 =	rddreg [dreg:$0x0]  }
0x2: {  	s1 =	rddreg [dreg:$0x1]  }
0x3: {  	s9 =	rddreg [dreg:$0x2]  }
0x4: {  	s0 =	rddreg [dreg:$0x3];
	s2 =	simm.s32 $0x0  }
0x5: {  	s5 =	srdreg.scid;
	s3 =	stileid.u32;
	s13 =	simm.s32 $0x340  }
0x6: {  	s14 =	simm.s32 $0x3740;
	s15 =	simm.s32 $0x1;
	s16 =	simm.s32 $0x2  }
0x7: {  	s17 =	simm.s32 $0x38E0;
	s18 =	simm.s32 $0x3A80;
	s19 =	simm.s32 $0x0  }
0x8: {  	[smem:$0x7FF] =	sst s2;
	s4 =	sadd.s32 $0xF43000, s7;
	s8 =	sand.u32 $0x1, s5  }
0x9: {  	s5 =	sadd.s32 $0x4000, s7;
	s11 =	sshll.u32 s3, $0x1;
	s6 =	sadd.s32 $0xC00, s7  }
0xa: {  	s7 =	sadd.s32 $0x22A00, s7;
	s10 =	ssub.s32 $0x2, s8;
	s8 =	sor.u32 s8, s11  }
0xb: {  	_ =	strace $0x80000047;
	s12 =	sshrl.u32 s10, $0x1;
	s11 =	sshll.u32 s8, $0x9  }
0xc: {  	s8 =	smul.u32 $0xD00, s8;
	s10 =	ssub.s32 s10, s12;
	s9 =	sadd.s32 s9, s11  }
0xd: {  	s11 =	simm.s32 $0x3;
	s12 =	simm.s32 $0x1A0;
	s10 =	smax.u32 s10, $0x1  }
.LBB2_1:
0xe: {  	s20 =	simm.s32 $0x0  }
.LBB2_2:
0xf: {  	s21 =	smul.u32 $0x1A0, s20;
	_ =	sdelay $0x1  }
0x10: {  	s21 =	sadd.s32 s8, s21  }
0x11: {  	s21 =	sshrl.u32 s21, $0x3  }
0x12: {  	s22 =	sadd.s32 s1, s21  }
0x13: {  	[tilespmem:s2], [sflag:$0x3] =	stream.linear.gather [hbm4b:s22+s2], $0x1A0, $0x38;
	[tilespmem:$0x3C80] =	vst v63  }
0x14: {  	_ =	swait.ge [sflag:s11], $0x1A0  }
0x15: {  	[sflag:s11] =	ssyncset.done $0x0  }
0x16: {  	s31 =	sadd.s32 s6, s21;
	[sflag:s11] =	ssyncadd.s32 $0xFFFFFE60  }
0x17: {  	[tilespmem:s12], [sflag:$0x3] =	stream.linear.gather [hbm4b:s31+s2], $0x1A0, $0x38;
	[tilespmem:$0x3C80] =	vst v63  }
0x18: {  	_ =	swait.ge [sflag:s11], $0x1A0  }
0x19: {  	[sflag:s11] =	ssyncset.done $0x0  }
0x1a: {  	[sflag:s11] =	ssyncadd.s32 $0xFFFFFE60  }
0x1b: {  	[tilespmem:s13], [sflag:$0x1] =	stream.indirect.gather [hbm4b:s4+s12], $0x20, s2, s12, $0xb8;
	[tilespmem:$0x3C80] =	vst v63  }
0x1c: {  	_ = 	snop  }
0x1d: {  	[tilespmem:s14], [sflag:$0x2] =	stream.indirect.gather [hbm4b:s5+s12], $0x1, s2, s12, $0xb8;
	[tilespmem:$0x3C80] =	vst v63  }
0x1e: {  	_ =	swait.ge [sflag:s15], $0x3400  }
0x1f: {  	[sflag:s15] =	ssyncset.done $0x0  }
0x20: {  	[sflag:s15] =	ssyncadd.s32 $0xFFFFCC00  }
0x21: {  	_ =	swait.ge [sflag:s16], $0x1A0  }
0x22: {  	s23 =	simm.s32 $0x3A90;
	[sflag:s16] =	ssyncset.done $0x0  }
0x23: {  	s24 =	simm.s32 $0x4E0;
	s22 =	simm.s32 $0x19;
	[sflag:s16] =	ssyncadd.s32 $0xFFFFFE60  }
.LBB2_3:
0x24: {  	v3 =	vld [tilespmem:s24+$0xFFFFFE60]  }
0x25: {  	v4 =	vld [tilespmem:s24+$0xFFFFFE70]  }
0x26: {  	v5 =	vld [tilespmem:s24+$0xFFFFFE80]  }
0x27: {  	v7 =	vld [tilespmem:s24+$0xFFFFFE90]  }
0x28: {  	s29 =	sadd.s32 $0xFFFFFFE8, s22;
	v9 =	vld [tilespmem:s24+$0xFFFFFEA0]  }
0x29: {  	s25 =	sadd.s32 $0xFFFFFFE7, s22;
	s26 =	sadd.s32 $0xFFFFFFE9, s22;
	s30 =	sadd.s32 $0xFFFFFFEA, s22;
	v60 =	vld [tilespmem:s24+$0xFFFFFEB0];
	v1 =	vmov s29  }
0x2a: {  	s31 =	sadd.s32 $0xFFFFFFEB, s22;
	v61 =	vld [tilespmem:s24+$0xFFFFFEC0];
	v0 =	vmov s25;
	v2 =	vmov s26;
	v6 =	vmov s30;
	s26 =	sadd.s32 $0xFFFFFFEC, s22  }
0x2b: {  	v13 =	vld [tilespmem:s24+$0xFFFFFED0];
	v8 =	vmov s31;
	s31 =	sadd.s32 $0xFFFFFFF0, s22;
	v0 =	vand.u32 $0xFFFFFFFE, v0;
	v12 =	vmov s26  }
0x2c: {  	v24 =	vld [tilespmem:s24+$0xFFFFFF00];
	v8 =	vand.u32 $0xFFFFFFFE, v8;
	v35 =	vmov s31;
	v0 =	vbroadcast v0, $0x0  }
0x2d: {  	v47 =	vld [tilespmem:s24+$0xFFFFFF80];
	v2 =	vand.u32 $0xFFFFFFFE, v2;
	v8 =	vbroadcast v8, $0x0  }
0x2e: {  	v2 =	vbroadcast v2, $0x0;
	v1 =	vld.idx.msk [tilespmem:v1+s12+$0x0], $0xffff  }
0x2f: {  	v6 =	vld.idx.msk [tilespmem:v6+s12+$0x0], $0xffff  }
0x30: {  	s28 =	sadd.s32 $0xFFFFFFED, s22;
	v21 =	vld.idx.msk [tilespmem:v12+s12+$0x0], $0xffff  }
0x31: {  	v14 =	vmov s28;
	s30 =	sadd.s32 $0xFFFFFFEF, s22;
	v45 =	vld.idx.msk [tilespmem:v35+s12+$0x0], $0xffff  }
0x32: {  	s28 =	sadd.s32 $0xFFFFFFF2, s22;
	v63 =	vand.u32 $0xFFFFFFFE, v14;
	v25 =	vmov s30;
	v0 =	vld.idx.msk [tilespmem:v0+s12+$0x0], $0xffff  }
0x33: {  	v48 =	vmov s28;
	v62 =	vld.idx.msk [tilespmem:v8+s12+$0x0], $0xffff;
	v8 =	vbroadcast v63, $0x0;
	v5 =	vmul.f32 v5, v1  }
0x34: {  	v2 =	vld.idx.msk [tilespmem:v2+s12+$0x0], $0xffff;
	v19 =	vmul.f32 v61, v6;
	v6 =	vmul.f32 v13, v6;
	v13 =	vand.u32 $0xFFFFFFFE, v25  }
0x35: {  	v17 =	vld [tilespmem:s24+$0xFFFFFEE0];
	v1 =	vmul.f32 v7, v1;
	v13 =	vbroadcast v13, $0x0  }
0x36: {  	v20 =	vld [tilespmem:s24+$0xFFFFFEF0];
	v33 =	vmul.f32 v24, v21;
	v57 =	vmul.f32 v47, v45  }
0x37: {  	s29 =	sadd.s32 $0xFFFFFFEE, s22;
	v15 =	vmul.f32 v1, v1;
	v23 =	vmul.f32 v19, v19  }
0x38: {  	v22 =	vmov s29;
	s26 =	sadd.s32 $0xFFFFFFF1, s22;
	v28 =	vmul.f32 v6, v6;
	v3 =	vmul.f32 v3, v0  }
0x39: {  	s29 =	sadd.s32 $0xFFFFFFF3, s22;
	v38 =	vmov s26;
	v58 =	vld.idx.msk [tilespmem:v48+s12+$0x0], $0xffff;
	v0 =	vmul.f32 v4, v0;
	v9 =	vmul.f32 v9, v2  }
0x3a: {  	s30 =	sadd.s32 $0xFFFFFFF4, s22;
	v51 =	vmov s29;
	v61 =	vld [tilespmem:s24+$0xFFFFFFC0];
	v2 =	vmul.f32 v60, v2;
	v26 =	vmul.f32 v17, v62  }
0x3b: {  	v27 =	vld [tilespmem:s24+$0xFFFFFF10];
	v59 =	vmov s30;
	v4 =	vmul.f32 v20, v62;
	v36 =	vmul.f32 v33, v33  }
0x3c: {  	v30 =	vld [tilespmem:s24+$0xFFFFFF20];
	v60 =	vmul.f32 v57, v57;
	v10 =	vadd.f32 $0.0e+00, v3;
	v3 =	vmul.f32 v3, v3  }
0x3d: {  	v31 =	vld [tilespmem:s24+$0xFFFFFF30];
	s31 =	sadd.s32 $0xFFFFFFF5, s22;
	v11 =	vadd.f32 $0.0e+00, v0;
	v0 =	vmul.f32 v0, v0;
	v16 =	vmul.f32 v9, v9  }
0x3e: {  	v34 =	vld [tilespmem:s24+$0xFFFFFF40];
	v62 =	vmov s31;
	v18 =	vmul.f32 v2, v2;
	v29 =	vmul.f32 v26, v26  }
0x3f: {  	v8 =	vld.idx.msk [tilespmem:v8+s12+$0x0], $0xffff;
	v32 =	vmul.f32 v4, v4;
	v24 =	vmul.f32 v61, v58;
	v10 =	vadd.f32 v5, v10  }
0x40: {  	v37 =	vld [tilespmem:s24+$0xFFFFFF50];
	v5 =	vmul.f32 v5, v5;
	v0 =	vadd.f32 v15, v0;
	v15 =	vand.u32 $0xFFFFFFFE, v38  }
0x41: {  	v39 =	vld [tilespmem:s24+$0xFFFFFF60];
	s31 =	sadd.s32 $0xFFFFFFFA, s22;
	v1 =	vadd.f32 v1, v11;
	v40 =	vbroadcast v15, $0x0;
	v15 =	vand.u32 $0xFFFFFFFE, v51  }
0x42: {  	v13 =	vld.idx.msk [tilespmem:v13+s12+$0x0], $0xffff;
	v51 =	vmov s31;
	v3 =	vadd.f32 v5, v3;
	v9 =	vadd.f32 v9, v10  }
0x43: {  	v43 =	vld [tilespmem:s24+$0xFFFFFF70];
	v1 =	vadd.f32 v2, v1;
	v0 =	vadd.f32 v18, v0;
	v2 =	vmul.f32 v27, v21  }
0x44: {  	v50 =	vld [tilespmem:s24+$0xFFFFFF90];
	v7 =	vmul.f32 v30, v8;
	v8 =	vmul.f32 v31, v8;
	v3 =	vadd.f32 v16, v3  }
0x45: {  	v17 =	vld [tilespmem:s24+$0xFFFFFFD0];
	v15 =	vbroadcast v15, $0x0;
	v5 =	vadd.f32 v19, v9;
	v1 =	vadd.f32 v6, v1  }
0x46: {  	s26 =	sadd.s32 $0xFFFFFFF6, s22;
	v10 =	vld.idx.msk [tilespmem:v22+s12+$0x0], $0xffff;
	v0 =	vadd.f32 v28, v0;
	v16 =	vmul.f32 v2, v2;
	v41 =	vmul.f32 v7, v7  }
0x47: {  	s29 =	sadd.s32 $0xFFFFFFF8, s22;
	v42 =	vmul.f32 v8, v8;
	v28 =	vmov s26;
	v9 =	vmul.f32 v39, v13  }
0x48: {  	v55 =	vmul.f32 v43, v13;
	v13 =	vand.u32 $0xFFFFFFFE, v62;
	v39 =	vmov s29  }
0x49: {  	v3 =	vadd.f32 v23, v3;
	v1 =	vadd.f32 v4, v1;
	v4 =	vmul.f32 v50, v45  }
0x4a: {  	v54 =	vld [tilespmem:s24+$0xFFFFFFA0];
	v5 =	vadd.f32 v26, v5;
	v19 =	vbroadcast v13, $0x0;
	v26 =	vmul.f32 v17, v58  }
0x4b: {  	v56 =	vld [tilespmem:s24+$0xFFFFFFB0];
	v0 =	vadd.f32 v32, v0;
	v44 =	vmul.f32 v34, v10;
	v46 =	vmul.f32 v37, v10  }
0x4c: {  	v21 =	vld [tilespmem:s24+$0xFFFFFFE0];
	v53 =	vmul.f32 v9, v9;
	v3 =	vadd.f32 v29, v3;
	v5 =	vadd.f32 v33, v5  }
0x4d: {  	s28 =	sadd.s32 $0xFFFFFFF7, s22;
	v11 =	vld.idx.msk [tilespmem:v40+s12+$0x0], $0xffff;
	v1 =	vadd.f32 v2, v1;
	v0 =	vadd.f32 v16, v0;
	v14 =	vmul.f32 v4, v4  }
0x4e: {  	v18 =	vld.idx.msk [tilespmem:v15+s12+$0x0], $0xffff;
	v29 =	vmov s28;
	v30 =	vmul.f32 v26, v26;
	v3 =	vadd.f32 v36, v3  }
0x4f: {  	v23 =	vld [tilespmem:s24+$0xFFFFFFF0];
	v49 =	vmul.f32 v44, v44;
	v5 =	vadd.f32 v7, v5;
	v1 =	vadd.f32 v8, v1  }
0x50: {  	v38 =	vld [tilespmem:s24+$0x40];
	v52 =	vmul.f32 v46, v46;
	v0 =	vadd.f32 v42, v0;
	v2 =	vadd.f32 v41, v3  }
0x51: {  	v35 =	vld.idx.msk [tilespmem:v28+s12+$0x0], $0xffff;
	v7 =	vmul.f32 v24, v24;
	v3 =	vadd.f32 v44, v5;
	v1 =	vadd.f32 v46, v1  }
0x52: {  	s30 =	sadd.s32 $0xFFFFFFF9, s22;
	v40 =	vld [tilespmem:s24+$0x50];
	v0 =	vadd.f32 v52, v0;
	v5 =	vmul.f32 v55, v55;
	v16 =	vmul.f32 v54, v11  }
0x53: {  	v25 =	vld [tilespmem:s24+$0x0];
	v63 =	vmul.f32 v56, v11;
	v41 =	vmov s30;
	v10 =	vmul.f32 v21, v18  }
0x54: {  	v31 =	vld [tilespmem:s24+$0x20];
	v6 =	vmul.f32 v23, v18;
	v13 =	vand.u32 $0xFFFFFFFE, v41;
	v2 =	vadd.f32 v49, v2  }
0x55: {  	v34 =	vld [tilespmem:s24+$0x30];
	v3 =	vadd.f32 v9, v3;
	v20 =	vmul.f32 v16, v16;
	v22 =	vmul.f32 v63, v63  }
0x56: {  	v11 =	vld.idx.msk [tilespmem:v19+s12+$0x0], $0xffff;
	v1 =	vadd.f32 v55, v1;
	v46 =	vbroadcast v13, $0x0;
	v49 =	vmul.f32 v38, v35  }
0x57: {  	v50 =	vld.idx.msk [tilespmem:v39+s12+$0x0], $0xffff;
	v0 =	vadd.f32 v5, v0;
	v5 =	vmul.f32 v40, v35;
	v32 =	vmul.f32 v10, v10  }
0x58: {  	v52 =	vld [tilespmem:s24+$0x80];
	v33 =	vmul.f32 v6, v6;
	v2 =	vadd.f32 v53, v2;
	v3 =	vadd.f32 v57, v3  }
0x59: {  	s26 =	sadd.s32 $0xFFFFFFFB, s22;
	v9 =	vld.idx.msk [tilespmem:v59+s12+$0x0], $0xffff;
	v1 =	vadd.f32 v4, v1;
	v0 =	vadd.f32 v14, v0;
	v14 =	vand.u32 $0xFFFFFFFE, v29  }
0x5a: {  	v27 =	vld [tilespmem:s24+$0x10];
	s30 =	sadd.s32 $0xFFFFFFFE, s22;
	v53 =	vmov s26;
	v54 =	vmul.f32 v49, v49;
	v56 =	vmul.f32 v5, v5  }
0x5b: {  	v55 =	vld [tilespmem:s24+$0x90];
	v29 =	vmov s30;
	v14 =	vbroadcast v14, $0x0;
	v37 =	vmul.f32 v31, v11  }
0x5c: {  	v44 =	vmul.f32 v34, v11;
	v12 =	vand.u32 $0xFFFFFFFE, v53;
	v2 =	vadd.f32 v60, v2  }
0x5d: {  	v62 =	vld.idx.msk [tilespmem:v51+s12+$0x0], $0xffff;
	v61 =	vmul.f32 v52, v50;
	v3 =	vadd.f32 v16, v3;
	v1 =	vadd.f32 v63, v1  }
0x5e: {  	s28 =	sadd.s32 $0xFFFFFFFC, s22;
	v21 =	vld [tilespmem:s24+$0xC0];
	v0 =	vadd.f32 v22, v0;
	v12 =	vbroadcast v12, $0x0;
	v4 =	vmul.f32 v25, v9  }
0x5f: {  	v48 =	vld [tilespmem:s24+$0x70];
	s29 =	sadd.s32 $0xFFFFFFFD, s22;
	v63 =	vmov s28;
	v36 =	vmul.f32 v27, v9;
	v43 =	vmul.f32 v37, v37  }
0x60: {  	v45 =	vld [tilespmem:s24+$0x60];
	v22 =	vmov s29;
	v47 =	vmul.f32 v44, v44;
	v9 =	vmul.f32 v55, v50  }
0x61: {  	v58 =	vld [tilespmem:s24+$0xA0];
	v23 =	vmul.f32 v61, v61;
	v15 =	vand.u32 $0xFFFFFFFE, v22;
	v2 =	vadd.f32 v20, v2  }
0x62: {  	v3 =	vadd.f32 v24, v3;
	v1 =	vadd.f32 v26, v1;
	v11 =	vld.idx.msk [tilespmem:v46+s12+$0x0], $0xffff;
	v15 =	vbroadcast v15, $0x0  }
0x63: {  	v0 =	vadd.f32 v30, v0;
	v24 =	vld [tilespmem:s24+$0xD0];
	v30 =	vmul.f32 v21, v62;
	v42 =	vmul.f32 v36, v36  }
0x64: {  	v31 =	vld [tilespmem:s24+$0x100];
	v25 =	vmul.f32 v9, v9;
	v2 =	vadd.f32 v7, v2;
	v3 =	vadd.f32 v10, v3  }
0x65: {  	v34 =	vld [tilespmem:s24+$0x110];
	v1 =	vadd.f32 v6, v1;
	v0 =	vadd.f32 v33, v0;
	v35 =	vmul.f32 v30, v30  }
0x66: {  	s31 =	sadd.s32 $0xFFFFFFFF, s22;
	v14 =	vld.idx.msk [tilespmem:v14+s12+$0x0], $0xffff;
	v2 =	vadd.f32 v32, v2;
	v3 =	vadd.f32 v4, v3;
	v4 =	vmul.f32 v4, v4  }
0x67: {  	v8 =	vld.idx.msk [tilespmem:v63+s12+$0x0], $0xffff;
	v1 =	vadd.f32 v36, v1;
	v0 =	vadd.f32 v42, v0;
	v32 =	vmov s31  }
0x68: {  	v27 =	vld [tilespmem:s24+$0xE0];
	v26 =	vmul.f32 v58, v11;
	v6 =	vmul.f32 v24, v62;
	v2 =	vadd.f32 v4, v2  }
0x69: {  	v12 =	vld.idx.msk [tilespmem:v12+s12+$0x0], $0xffff;
	v42 =	vmov s22;
	v3 =	vadd.f32 v37, v3;
	v1 =	vadd.f32 v44, v1  }
0x6a: {  	v60 =	vld [tilespmem:s24+$0xB0];
	v0 =	vadd.f32 v47, v0;
	v4 =	vmul.f32 v26, v26;
	v37 =	vmul.f32 v6, v6  }
0x6b: {  	v36 =	vld [tilespmem:s24+$0x120];
	v2 =	vadd.f32 v43, v2;
	v7 =	vmul.f32 v45, v14;
	v3 =	vadd.f32 v49, v3  }
0x6c: {  	v15 =	vld.idx.msk [tilespmem:v15+s12+$0x0], $0xffff;
	v59 =	vmul.f32 v48, v14;
	v14 =	vand.u32 $0xFFFFFFFE, v32;
	v40 =	vmul.f32 v31, v8  }
0x6d: {  	v38 =	vld [tilespmem:s24+$0x130];
	v1 =	vadd.f32 v5, v1;
	v8 =	vmul.f32 v34, v8;
	v14 =	vbroadcast v14, $0x0  }
0x6e: {  	v28 =	vld [tilespmem:s24+$0xF0];
	v0 =	vadd.f32 v56, v0;
	v5 =	vmul.f32 v27, v12;
	v57 =	vmul.f32 v7, v7  }
0x6f: {  	v41 =	vld [tilespmem:s24+$0x140];
	v3 =	vadd.f32 v7, v3;
	v20 =	vmul.f32 v59, v59;
	v7 =	vmul.f32 v60, v11  }
0x70: {  	v10 =	vld.idx.msk [tilespmem:v29+s12+$0x0], $0xffff;
	v2 =	vadd.f32 v54, v2;
	v45 =	vmul.f32 v40, v40;
	v48 =	vmul.f32 v8, v8  }
0x71: {  	v1 =	vadd.f32 v59, v1;
	v39 =	vmul.f32 v5, v5;
	v46 =	vmul.f32 v36, v15  }
0x72: {  	v49 =	vmul.f32 v38, v15;
	v2 =	vadd.f32 v57, v2;
	v3 =	vadd.f32 v61, v3  }
0x73: {  	v0 =	vadd.f32 v20, v0;
	v1 =	vadd.f32 v9, v1;
	v33 =	vmul.f32 v7, v7  }
0x74: {  	v53 =	vld [tilespmem:s24+$0x180];
	v9 =	vmul.f32 v28, v12;
	v2 =	vadd.f32 v23, v2;
	v3 =	vadd.f32 v26, v3  }
0x75: {  	v13 =	vld.idx.msk [tilespmem:v42+s12+$0x0], $0xffff;
	v12 =	vmul.f32 v41, v10;
	v0 =	vadd.f32 v25, v0;
	v1 =	vadd.f32 v7, v1  }
0x76: {  	v44 =	vld [tilespmem:s24+$0x150];
	v51 =	vmul.f32 v46, v46;
	v2 =	vadd.f32 v4, v2;
	v3 =	vadd.f32 v30, v3  }
0x77: {  	v55 =	vld [tilespmem:s24+$0x190];
	v52 =	vmul.f32 v49, v49;
	v0 =	vadd.f32 v33, v0;
	v1 =	vadd.f32 v6, v1  }
0x78: {  	v47 =	vld [tilespmem:s24+$0x160];
	v43 =	vmul.f32 v9, v9;
	v2 =	vadd.f32 v35, v2;
	v3 =	vadd.f32 v5, v3  }
0x79: {  	v54 =	vmul.f32 v12, v12;
	v14 =	vld.idx.msk [tilespmem:v14+s12+$0x0], $0xffff;
	v0 =	vadd.f32 v37, v0;
	v1 =	vadd.f32 v9, v1  }
0x7a: {  	v50 =	vld [tilespmem:s24+$0x170];
	v59 =	vmul.f32 v53, v13;
	v2 =	vadd.f32 v39, v2;
	v3 =	vadd.f32 v40, v3  }
0x7b: {  	v6 =	vmul.f32 v44, v10;
	v0 =	vadd.f32 v43, v0;
	v1 =	vadd.f32 v8, v1  }
0x7c: {  	v60 =	vmul.f32 v55, v13;
	v2 =	vadd.f32 v45, v2;
	v3 =	vadd.f32 v46, v3  }
0x7d: {  	v56 =	vmul.f32 v6, v6;
	v0 =	vadd.f32 v48, v0;
	v1 =	vadd.f32 v49, v1  }
0x7e: {  	v57 =	vmul.f32 v47, v14;
	v2 =	vadd.f32 v51, v2;
	v3 =	vadd.f32 v12, v3  }
0x7f: {  	v58 =	vmul.f32 v50, v14;
	v0 =	vadd.f32 v52, v0;
	v1 =	vadd.f32 v6, v1  }
0x80: {  	v4 =	vmul.f32 v57, v57;
	v2 =	vadd.f32 v54, v2;
	v3 =	vadd.f32 v57, v3  }
0x81: {  	v5 =	vmul.f32 v58, v58;
	v0 =	vadd.f32 v56, v0;
	v1 =	vadd.f32 v58, v1  }
0x82: {  	v61 =	vmul.f32 v59, v59;
	v2 =	vadd.f32 v4, v2;
	v3 =	vadd.f32 v59, v3  }
0x83: {  	v62 =	vmul.f32 v60, v60;
	v0 =	vadd.f32 v5, v0;
	v1 =	vadd.f32 v60, v1  }
0x84: {  	v2 =	vadd.f32 v61, v2;
	v3 =	vmul.f32 v3, v3  }
0x85: {  	v0 =	vadd.f32 v62, v0;
	v1 =	vmul.f32 v1, v1  }
0x86: {  	p0 =	sne.s32 s22, $0x19F;
	v2 =	vsub.f32 v3, v2  }
.Ltmp0:
0x87: {  	v0 =	vsub.f32 v1, v0;
	(pc) =	sbr.rel @p0 .LBB2_3-.Ltmp0, $4  }
0x88: {  	v63 =	vmul.f32 $5.000000000e-01, v2  }
0x89: {  	v0 =	vmul.f32 $5.000000000e-01, v0  }
0x8a: {  	[tilespmem:s23+$0xFFFFFFF0] =	vst v63  }
0x8b: {  	s22 =	sadd.s32 $0x1A, s22;
	s24 =	sadd.s32 $0x340, s24;
	[tilespmem:s23+$0x0] =	vst v0;
	s23 =	sadd.s32 $0x20, s23  }
0x8c: {  	s22 =	simm.s32 $0x0  }
0x8d: {  	v0 =	vld [tilespmem:s22+$0x3740]  }
0x8e: {  	s23 =	simm.s32 $0x40;
	v1 =	vld [tilespmem:s22+$0x1A0]  }
.LBB2_5:
0x8f: {  	_ = 	snop  }
0x90: {  	p0 =	sne.s32 s23, $0x640  }
.Ltmp1:
0x91: {  	_ = 	snop;
	(pc) =	sbr.rel @p0 .LBB2_5-.Ltmp1, $4  }
0x92: {  	_ = 	snop  }
0x93: {  	s24 =	sshra.s32 s23, $0x2;
	v2 =	vmul.f32 v1, v0  }
0x94: {  	v0 =	vld [tilespmem:s24+$0x3740]  }
0x95: {  	s23 =	sadd.s32 $0x40, s23;
	v1 =	vld [tilespmem:s24+$0x1A0];
	[tilespmem:s22+$0x38E0] =	vst v2;
	s22 =	smov.u32 s24  }
0x96: {  	_ =	sdelay $0x3  }
0x97: {  	v0 =	vmul.f32 v1, v0;
	_ =	sdelay $0x1  }
0x98: {  	s21 =	sadd.s32 s7, s21;
	[tilespmem:s22+$0x38E0] =	vst v0  }
0x99: {  	[hbm4b:s21+s2] =	stream.linear.scatter [tilespmem:s17], [sflag:$0x3], $0x1A0, $0x38;
	[tilespmem:$0x3C80] =	vst v63  }
0x9a: {  	s31 =	sshll.u32 s20, $0x6;
	s20 =	sadd.s32 $0x1, s20;
	_ =	swait.ge [sflag:s11], $0x1A0  }
0x9b: {  	p0 =	sne.s32 s20, $0x8;
	[sflag:s11] =	ssyncset.done $0x0  }
.Ltmp2:
0x9c: {  	s21 =	sadd.s32 s31, s9;
	[sflag:s11] =	ssyncadd.s32 $0xFFFFFE60;
	(pc) =	sbr.rel @p0 .LBB2_2-.Ltmp2, $4  }
0x9d: {  	[hbm4b:s21+s2] =	stream.linear.scatter [tilespmem:s18], [sflag:$0x3], $0x200, $0x38;
	[tilespmem:$0x3C80] =	vst v63  }
0x9e: {  	_ =	swait.ge [sflag:s11], $0x200  }
0x9f: {  	[sflag:s11] =	ssyncset.done $0x0  }
0xa0: {  	[sflag:s11] =	ssyncadd.s32 $0xFFFFFE00  }
0xa1: {  	s19 =	sadd.s32 $0x1, s19  }
0xa2: {  	p0 =	sne.s32 s19, s10  }
.Ltmp3:
0xa3: {  	_ = 	snop;
	(pc) =	sbr.rel @p0 .LBB2_1-.Ltmp3, $1  }
0xa4: {  	_ =	sdelay $0x3  }
0xa5: {  	_ =	sfence.sel $0x180000  }
0xa6: {  	[bflag:$0x0] =	sbarrier.arrive $0xFFFF  }
0xa7: {  	p0 =	sne.s32 s3, $0x0;
	_ =	strace $0x90000047  }
0xa8: {  	s0 =	sadd.s32 @!p0 $0x100000, s0;
	[bflag:$0x2] =	sbarrier.arrive $0xFFFF  }
0xa9: {  	[sflag:s0] =	ssyncadd.tile.s32 @!p0 $0x1;
	_ =	shalt  }
.Lfunc_end2:
_tile_overlayer_lowered:
.L_overlay_start_2:
0xaa: {  	(tag) =	ssettag $0x2  }
0xab: {  	s0 =	rddreg [dreg:$0x0];
	s2 =	stileid.u32  }
0xac: {  	s1 =	rddreg [dreg:$0x1];
	p0 =	sne.s32 s2, $0x0  }
0xad: {  	s3 =	rddreg [dreg:$0x2];
	[bflag:$0x3] =	sbarrier.arrive $0xFFFF;
	s2 =	simm.s32 @!p0 $0x1C03  }
0xae: {  	[timem:s3], [sflag:s2] =	dma.local @!p0 [hbm:s0], s1  }
0xaf: {  	s0 =	simm.s32 @!p0 $0x3  }
0xb0: {  	_ =	swait.ge @!p0 [sflag:s0], s1  }
0xb1: {  	s1 =	ssub.s32 @!p0 $0x0, s1;
	[sflag:s0] =	ssyncset.done @!p0 $0x0  }
0xb2: {  	[sflag:s0] =	ssyncadd.s32 @!p0 s1  }
0xb3: {  	[bflag:$0x3] =	sbarrier.arrive $0xFFFF  }
0xb4: {  	_ =	shalt  }

</sc_bundles>
